<compile_context>
chip_gen: v7x
topology: tpu7x:2x2x1
jax: 0.10.2.dev20260603
libtpu: 0.0.44.dev20260713+nightly
codegen_flags: <defaults>
</compile_context>

<pallas_src>
import functools

import jax
import jax.numpy as jnp
from jax import lax
from jax.experimental import pallas as pl
from jax.experimental.pallas import tpu as pltpu
from jax.experimental.pallas import tpu_sc as plsc

VOCAB = 1_000_000
DIM = 64
SEQ = 50
NROW = 16384

NC = 2
NS = 16
NW = NC * NS

NPW = NROW // NW
NL = 256
NB = NPW // NL
K = SEQ * NB
NBUF = 5
OUTER = K // NBUF

_BT = 16384
_TGRID = (VOCAB + _BT - 1) // _BT


def _tt_body(a_ref, o_ref):
    a = a_ref[...]
    o_ref[:, :DIM] = a.T


_tc_table = pl.pallas_call(
    _tt_body,
    grid=(_TGRID,),
    in_specs=[pl.BlockSpec((DIM, _BT), lambda j: (0, j))],
    out_specs=pl.BlockSpec((_BT, 2 * DIM), lambda j: (j, 0)),
    out_shape=jax.ShapeDtypeStruct((VOCAB, 2 * DIM), jnp.float32),
)

_mesh = plsc.VectorSubcoreMesh(
    core_axis_name="c", subcore_axis_name="s", num_cores=NC, num_subcores=NS
)


@functools.partial(
    pl.kernel,
    out_type=jax.ShapeDtypeStruct((SEQ * NROW, 2 * DIM), jnp.float32),
    mesh=_mesh,
    scratch_types=[
        pltpu.VMEM((SEQ, NPW), jnp.int32),
        pltpu.VMEM((NBUF, NL, DIM), jnp.float32),
        [pltpu.SemaphoreType.DMA] * NBUF,
    ],
    compiler_params=pltpu.CompilerParams(use_tc_tiling_on_sc=False),
)
def _emb_gather(xt_hbm, table_hbm, out_hbm, idx_v, rows_v, gsems):
    wid = lax.axis_index("s") * NC + lax.axis_index("c")
    nbase = wid * NPW
    pltpu.sync_copy(xt_hbm.at[:, pl.ds(nbase, NPW)], idx_v)

    def fire(kk, b):
        s = kk // NB
        nb = kk % NB
        pltpu.async_copy(table_hbm.at[idx_v.at[s, pl.ds(nb * NL, NL)]],
                         rows_v.at[b], gsems[b])

    def drain(kk, b):
        s = kk // NB
        nb = kk % NB
        pltpu.make_async_copy(table_hbm.at[idx_v.at[s, pl.ds(nb * NL, NL)]],
                              rows_v.at[b], gsems[b]).wait()
        pltpu.sync_copy(
            rows_v.at[b],
            out_hbm.at[pl.ds(s * NROW + nbase + nb * NL, NL), pl.ds(0, DIM)])

    for b in range(NBUF):
        fire(b, b)

    @pl.loop(0, OUTER - 1)
    def _outer(o):
        for b in range(NBUF):
            kk = o * NBUF + b
            drain(kk, b)
            fire(kk + NBUF, b)

    for b in range(NBUF):
        drain((OUTER - 1) * NBUF + b, b)


def kernel(x, emb):
    z = _tc_table(emb.T)
    table = z.reshape(2 * VOCAB, DIM)
    g2 = _emb_gather((x * 2).T, table)
    return g2[:, :DIM].reshape(SEQ, NROW, DIM).transpose(1, 0, 2)

# --- scband reference (transcript-rebuilt; emitter-appended) ---
"""Pipeline reference for scband-token-embedding-23261542875568 (READ-ONLY COPY).

The authoritative reference and input builder live on the scoring server;
editing this copy changes nothing except your own understanding.
"""

import jax, jax.numpy as jnp
import numpy as np

VOCAB = 1000000
DIM = 64

def setup_inputs(seed: int = 0) -> dict:
    key = jax.random.key(seed)
    k1, k2 = jax.random.split(key)
    x = jax.random.randint(k1, (16384, 50), 0, VOCAB, dtype=jnp.int64 if jax.config.jax_enable_x64 else jnp.int32)
    emb = jax.random.normal(k2, (VOCAB, DIM), dtype=jnp.float32)
    return {"x": x, "emb": emb}

def reference(x, emb):
    # TokenEmbedding.forward: nn.Embedding lookup -> gather rows
    return jnp.take(emb, x, axis=0)

if __name__ == "__main__":
    import jax
    _d = setup_inputs()
    print(jax.jit(kernel)(*tuple(_d.values())))

</pallas_src>

<mosaic_0001>
#map = affine_map<(d0, d1) -> (0, 0)>
module attributes {stable_mosaic.version = 14 : i64} {
  func.func @_emb_gather(%arg0: i32, %arg1: i32, %arg2: memref<50x16384xi32, #tpu.memory_space<hbm>>, %arg3: memref<2000000x64xf32, #tpu.memory_space<hbm>>, %arg4: memref<819200x128xf32, #tpu.memory_space<hbm>>, %arg5: memref<50x512xi32, #tpu.memory_space<vmem>>, %arg6: memref<5x256x64xf32, #tpu.memory_space<vmem>>, %arg7: memref<!tpu.dma_semaphore, #tpu.memory_space<semaphore_mem>>, %arg8: memref<!tpu.dma_semaphore, #tpu.memory_space<semaphore_mem>>, %arg9: memref<!tpu.dma_semaphore, #tpu.memory_space<semaphore_mem>>, %arg10: memref<!tpu.dma_semaphore, #tpu.memory_space<semaphore_mem>>, %arg11: memref<!tpu.dma_semaphore, #tpu.memory_space<semaphore_mem>>) attributes {dimension_semantics = [#tpu.dimension_semantics<core_parallel>, #tpu.dimension_semantics<subcore_parallel>], iteration_bounds = array<i64: 2, 16>, scalar_prefetch = 0 : i64, scratch_operands = 7 : i64, tpu.core_type = #tpu.core_type<sc_vector_subcore>, window_params = [{transform_indices = #map}, {transform_indices = #map}, {transform_indices = #map}]} {
    %mul3A = arith.constant 2 : i32
    %mul3A_0 = arith.muli %arg1, %mul3A : i32
    %add3A = arith.addi %mul3A_0, %arg0 : i32
    %mul3A_1 = arith.constant 512 : i32
    %mul3A_2 = arith.muli %add3A, %mul3A_1 : i32
    "tpu.region"() ({
      %run_scoped3A_149 = tpu.sem_alloc : memref<!tpu.dma_semaphore, #tpu.memory_space<semaphore_mem>>
      %dma_start3A_150 = arith.constant 0 : i32
      %dma_start3A_151 = tpu.memref_slice %arg2[%dma_start3A_150, %mul3A_2] : memref<50x16384xi32, #tpu.memory_space<hbm>> -> memref<50x512xi32, #tpu.memory_space<hbm>>
      %dma_start3A_152 = arith.constant 0 : i32
      %dma_start3A_153 = tpu.memref_slice %arg2[%dma_start3A_152, %mul3A_2] : memref<50x16384xi32, #tpu.memory_space<hbm>> -> memref<50x512xi32, #tpu.memory_space<hbm>>
      tpu.enqueue_dma source(%dma_start3A_153 : memref<50x512xi32, #tpu.memory_space<hbm>>) target(%arg5 : memref<50x512xi32, #tpu.memory_space<vmem>>) target_semaphore(%run_scoped3A_149 : memref<!tpu.dma_semaphore, #tpu.memory_space<semaphore_mem>>)
      %dma_wait3A_154 = arith.constant 0 : i32
      %dma_wait3A_155 = tpu.memref_slice %arg2[%dma_wait3A_154, %mul3A_2] : memref<50x16384xi32, #tpu.memory_space<hbm>> -> memref<50x512xi32, #tpu.memory_space<hbm>>
      %dma_wait3A_156 = arith.constant 0 : i32
      %dma_wait3A_157 = tpu.memref_slice %arg2[%dma_wait3A_156, %mul3A_2] : memref<50x16384xi32, #tpu.memory_space<hbm>> -> memref<50x512xi32, #tpu.memory_space<hbm>>
      tpu.wait_dma2 semaphore(%run_scoped3A_149 : memref<!tpu.dma_semaphore, #tpu.memory_space<semaphore_mem>>) src(%dma_wait3A_157 : memref<50x512xi32, #tpu.memory_space<hbm>>) dst(%arg5 : memref<50x512xi32, #tpu.memory_space<vmem>>)
      tpu.yield
    }) : () -> ()
    %dma_start3A = arith.constant 0 : i32
    %dma_start3A_3 = arith.constant 0 : i32
    %dma_start3A_4 = arith.constant 0 : i32
    %dma_start3A_5 = arith.constant 0 : i32
    %dma_start3A_6 = tpu.memref_slice %arg6[%dma_start3A_3, %dma_start3A_4, %dma_start3A_5] : memref<5x256x64xf32, #tpu.memory_space<vmem>> -> memref<1x256x64xf32, #tpu.memory_space<vmem>>
    %dma_start3A_7 = tpu.memref_squeeze %dma_start3A_6 : memref<1x256x64xf32, #tpu.memory_space<vmem>> -> memref<256x64xf32, #tpu.memory_space<vmem>>
    %dma_start3A_8 = arith.constant 0 : i32
    %dma_start3A_9 = tpu.memref_slice %arg5[%dma_start3A, %dma_start3A_8] : memref<50x512xi32, #tpu.memory_space<vmem>> -> memref<1x256xi32, #tpu.memory_space<vmem>>
    %dma_start3A_10 = tpu.memref_squeeze %dma_start3A_9 : memref<1x256xi32, #tpu.memory_space<vmem>> -> memref<256xi32, #tpu.memory_space<vmem>>
    %dma_start3A_11 = arith.constant 0 : i32
    %dma_start3A_12 = arith.constant 0 : i32
    %dma_start3A_13 = tpu.memref_slice %arg3[%dma_start3A_11, %dma_start3A_12] : memref<2000000x64xf32, #tpu.memory_space<hbm>> -> memref<2000000x64xf32, #tpu.memory_space<hbm>>
    tpu.enqueue_indirect_dma source(%dma_start3A_13 : memref<2000000x64xf32, #tpu.memory_space<hbm>>) target(%dma_start3A_7 : memref<256x64xf32, #tpu.memory_space<vmem>>) offsets(%dma_start3A_10 : memref<256xi32, #tpu.memory_space<vmem>>) semaphore(%arg7 : memref<!tpu.dma_semaphore, #tpu.memory_space<semaphore_mem>>)
    %dma_start3A_14 = arith.constant 0 : i32
    %dma_start3A_15 = arith.constant 1 : i32
    %dma_start3A_16 = arith.constant 0 : i32
    %dma_start3A_17 = arith.constant 0 : i32
    %dma_start3A_18 = tpu.memref_slice %arg6[%dma_start3A_15, %dma_start3A_16, %dma_start3A_17] : memref<5x256x64xf32, #tpu.memory_space<vmem>> -> memref<1x256x64xf32, #tpu.memory_space<vmem>>
    %dma_start3A_19 = tpu.memref_squeeze %dma_start3A_18 : memref<1x256x64xf32, #tpu.memory_space<vmem>> -> memref<256x64xf32, #tpu.memory_space<vmem>>
    %dma_start3A_20 = arith.constant 256 : i32
    %dma_start3A_21 = tpu.memref_slice %arg5[%dma_start3A_14, %dma_start3A_20] : memref<50x512xi32, #tpu.memory_space<vmem>> -> memref<1x256xi32, #tpu.memory_space<vmem>>
    %dma_start3A_22 = tpu.memref_squeeze %dma_start3A_21 : memref<1x256xi32, #tpu.memory_space<vmem>> -> memref<256xi32, #tpu.memory_space<vmem>>
    %dma_start3A_23 = arith.constant 0 : i32
    %dma_start3A_24 = arith.constant 0 : i32
    %dma_start3A_25 = tpu.memref_slice %arg3[%dma_start3A_23, %dma_start3A_24] : memref<2000000x64xf32, #tpu.memory_space<hbm>> -> memref<2000000x64xf32, #tpu.memory_space<hbm>>
    tpu.enqueue_indirect_dma source(%dma_start3A_25 : memref<2000000x64xf32, #tpu.memory_space<hbm>>) target(%dma_start3A_19 : memref<256x64xf32, #tpu.memory_space<vmem>>) offsets(%dma_start3A_22 : memref<256xi32, #tpu.memory_space<vmem>>) semaphore(%arg8 : memref<!tpu.dma_semaphore, #tpu.memory_space<semaphore_mem>>)
    %dma_start3A_26 = arith.constant 1 : i32
    %dma_start3A_27 = arith.constant 2 : i32
    %dma_start3A_28 = arith.constant 0 : i32
    %dma_start3A_29 = arith.constant 0 : i32
    %dma_start3A_30 = tpu.memref_slice %arg6[%dma_start3A_27, %dma_start3A_28, %dma_start3A_29] : memref<5x256x64xf32, #tpu.memory_space<vmem>> -> memref<1x256x64xf32, #tpu.memory_space<vmem>>
    %dma_start3A_31 = tpu.memref_squeeze %dma_start3A_30 : memref<1x256x64xf32, #tpu.memory_space<vmem>> -> memref<256x64xf32, #tpu.memory_space<vmem>>
    %dma_start3A_32 = arith.constant 0 : i32
    %dma_start3A_33 = tpu.memref_slice %arg5[%dma_start3A_26, %dma_start3A_32] : memref<50x512xi32, #tpu.memory_space<vmem>> -> memref<1x256xi32, #tpu.memory_space<vmem>>
    %dma_start3A_34 = tpu.memref_squeeze %dma_start3A_33 : memref<1x256xi32, #tpu.memory_space<vmem>> -> memref<256xi32, #tpu.memory_space<vmem>>
    %dma_start3A_35 = arith.constant 0 : i32
    %dma_start3A_36 = arith.constant 0 : i32
    %dma_start3A_37 = tpu.memref_slice %arg3[%dma_start3A_35, %dma_start3A_36] : memref<2000000x64xf32, #tpu.memory_space<hbm>> -> memref<2000000x64xf32, #tpu.memory_space<hbm>>
    tpu.enqueue_indirect_dma source(%dma_start3A_37 : memref<2000000x64xf32, #tpu.memory_space<hbm>>) target(%dma_start3A_31 : memref<256x64xf32, #tpu.memory_space<vmem>>) offsets(%dma_start3A_34 : memref<256xi32, #tpu.memory_space<vmem>>) semaphore(%arg9 : memref<!tpu.dma_semaphore, #tpu.memory_space<semaphore_mem>>)
    %dma_start3A_38 = arith.constant 1 : i32
    %dma_start3A_39 = arith.constant 3 : i32
    %dma_start3A_40 = arith.constant 0 : i32
    %dma_start3A_41 = arith.constant 0 : i32
    %dma_start3A_42 = tpu.memref_slice %arg6[%dma_start3A_39, %dma_start3A_40, %dma_start3A_41] : memref<5x256x64xf32, #tpu.memory_space<vmem>> -> memref<1x256x64xf32, #tpu.memory_space<vmem>>
    %dma_start3A_43 = tpu.memref_squeeze %dma_start3A_42 : memref<1x256x64xf32, #tpu.memory_space<vmem>> -> memref<256x64xf32, #tpu.memory_space<vmem>>
    %dma_start3A_44 = arith.constant 256 : i32
    %dma_start3A_45 = tpu.memref_slice %arg5[%dma_start3A_38, %dma_start3A_44] : memref<50x512xi32, #tpu.memory_space<vmem>> -> memref<1x256xi32, #tpu.memory_space<vmem>>
    %dma_start3A_46 = tpu.memref_squeeze %dma_start3A_45 : memref<1x256xi32, #tpu.memory_space<vmem>> -> memref<256xi32, #tpu.memory_space<vmem>>
    %dma_start3A_47 = arith.constant 0 : i32
    %dma_start3A_48 = arith.constant 0 : i32
    %dma_start3A_49 = tpu.memref_slice %arg3[%dma_start3A_47, %dma_start3A_48] : memref<2000000x64xf32, #tpu.memory_space<hbm>> -> memref<2000000x64xf32, #tpu.memory_space<hbm>>
    tpu.enqueue_indirect_dma source(%dma_start3A_49 : memref<2000000x64xf32, #tpu.memory_space<hbm>>) target(%dma_start3A_43 : memref<256x64xf32, #tpu.memory_space<vmem>>) offsets(%dma_start3A_46 : memref<256xi32, #tpu.memory_space<vmem>>) semaphore(%arg10 : memref<!tpu.dma_semaphore, #tpu.memory_space<semaphore_mem>>)
    %dma_start3A_50 = arith.constant 2 : i32
    %dma_start3A_51 = arith.constant 4 : i32
    %dma_start3A_52 = arith.constant 0 : i32
    %dma_start3A_53 = arith.constant 0 : i32
    %dma_start3A_54 = tpu.memref_slice %arg6[%dma_start3A_51, %dma_start3A_52, %dma_start3A_53] : memref<5x256x64xf32, #tpu.memory_space<vmem>> -> memref<1x256x64xf32, #tpu.memory_space<vmem>>
    %dma_start3A_55 = tpu.memref_squeeze %dma_start3A_54 : memref<1x256x64xf32, #tpu.memory_space<vmem>> -> memref<256x64xf32, #tpu.memory_space<vmem>>
    %dma_start3A_56 = arith.constant 0 : i32
    %dma_start3A_57 = tpu.memref_slice %arg5[%dma_start3A_50, %dma_start3A_56] : memref<50x512xi32, #tpu.memory_space<vmem>> -> memref<1x256xi32, #tpu.memory_space<vmem>>
    %dma_start3A_58 = tpu.memref_squeeze %dma_start3A_57 : memref<1x256xi32, #tpu.memory_space<vmem>> -> memref<256xi32, #tpu.memory_space<vmem>>
    %dma_start3A_59 = arith.constant 0 : i32
    %dma_start3A_60 = arith.constant 0 : i32
    %dma_start3A_61 = tpu.memref_slice %arg3[%dma_start3A_59, %dma_start3A_60] : memref<2000000x64xf32, #tpu.memory_space<hbm>> -> memref<2000000x64xf32, #tpu.memory_space<hbm>>
    tpu.enqueue_indirect_dma source(%dma_start3A_61 : memref<2000000x64xf32, #tpu.memory_space<hbm>>) target(%dma_start3A_55 : memref<256x64xf32, #tpu.memory_space<vmem>>) offsets(%dma_start3A_58 : memref<256xi32, #tpu.memory_space<vmem>>) semaphore(%arg11 : memref<!tpu.dma_semaphore, #tpu.memory_space<semaphore_mem>>)
    %scan3A = arith.constant 0 : i32
    %scan3A_62 = arith.constant 19 : i32
    %scan3A_63 = arith.addi %scan3A, %scan3A_62 : i32
    %scan3A_64 = arith.constant 1 : i32
    scf.for %scan3A_149 = %scan3A to %scan3A_63 step %scan3A_64  : i32 {
      %mul3A_150 = arith.constant 1 : i32
      %mul3A_151 = arith.muli %scan3A_149, %mul3A_150 : i32
      %add3A_152 = arith.constant 0 : i32
      %add3A_153 = arith.addi %add3A_152, %mul3A_151 : i32
      %mul3A_154 = arith.constant 5 : i32
      %mul3A_155 = arith.muli %add3A_153, %mul3A_154 : i32
      %add3A_156 = arith.constant 0 : i32
      %add3A_157 = arith.addi %mul3A_155, %add3A_156 : i32
      %jit3A = arith.constant 2 : i32
      %div3A = arith.divsi %add3A_157, %jit3A : i32
      %sign3A = arith.constant 0 : i32
      %sign3A_158 = arith.cmpi sgt, %add3A_157, %sign3A : i32
      %sign3A_159 = arith.extui %sign3A_158 : i1 to i32
      %sign3A_160 = arith.constant 0 : i32
      %sign3A_161 = arith.cmpi slt, %add3A_157, %sign3A_160 : i32
      %sign3A_162 = arith.extui %sign3A_161 : i1 to i32
      %sign3A_163 = arith.subi %sign3A_159, %sign3A_162 : i32
      %sign3A_164 = arith.constant 0 : i32
      %sign3A_165 = arith.cmpi sgt, %jit3A, %sign3A_164 : i32
      %sign3A_166 = arith.extui %sign3A_165 : i1 to i32
      %sign3A_167 = arith.constant 0 : i32
      %sign3A_168 = arith.cmpi slt, %jit3A, %sign3A_167 : i32
      %sign3A_169 = arith.extui %sign3A_168 : i1 to i32
      %sign3A_170 = arith.subi %sign3A_166, %sign3A_169 : i32
      %ne3A = arith.cmpi ne, %sign3A_163, %sign3A_170 : i32
      %rem3A = arith.remsi %add3A_157, %jit3A : i32
      %ne3A_171 = arith.constant 0 : i32
      %ne3A_172 = arith.cmpi ne, %rem3A, %ne3A_171 : i32
      %and3A = arith.andi %ne3A, %ne3A_172 : i1
      %sub3A = arith.constant 1 : i32
      %sub3A_173 = arith.subi %div3A, %sub3A : i32
      %select_n3A = arith.select %and3A, %sub3A_173, %div3A : i32
      %jit3A_174 = arith.constant 2 : i32
      %eq3A = arith.constant 0 : i32
      %eq3A_175 = arith.cmpi eq, %jit3A_174, %eq3A : i32
      %jit3A_176 = arith.constant 1 : i32
      %select_n3A_177 = arith.select %eq3A_175, %jit3A_176, %jit3A_174 : i32
      %rem3A_178 = arith.remsi %add3A_157, %select_n3A_177 : i32
      %ne3A_179 = arith.constant 0 : i32
      %ne3A_180 = arith.cmpi ne, %rem3A_178, %ne3A_179 : i32
      %lt3A = arith.constant 0 : i32
      %lt3A_181 = arith.cmpi slt, %rem3A_178, %lt3A : i32
      %lt3A_182 = arith.constant 0 : i32
      %lt3A_183 = arith.cmpi slt, %select_n3A_177, %lt3A_182 : i32
      %ne3A_184 = arith.xori %lt3A_181, %lt3A_183 : i1
      %and3A_185 = arith.andi %ne3A_184, %ne3A_180 : i1
      %add3A_186 = arith.addi %rem3A_178, %select_n3A_177 : i32
      %select_n3A_187 = arith.select %and3A_185, %add3A_186, %rem3A_178 : i32
      %mul3A_188 = arith.constant 256 : i32
      %mul3A_189 = arith.muli %select_n3A_187, %mul3A_188 : i32
      %dma_wait3A_190 = arith.constant 0 : i32
      %dma_wait3A_191 = arith.constant 0 : i32
      %dma_wait3A_192 = arith.constant 0 : i32
      %dma_wait3A_193 = tpu.memref_slice %arg6[%dma_wait3A_190, %dma_wait3A_191, %dma_wait3A_192] : memref<5x256x64xf32, #tpu.memory_space<vmem>> -> memref<1x256x64xf32, #tpu.memory_space<vmem>>
      %dma_wait3A_194 = tpu.memref_squeeze %dma_wait3A_193 : memref<1x256x64xf32, #tpu.memory_space<vmem>> -> memref<256x64xf32, #tpu.memory_space<vmem>>
      %dma_wait3A_195 = tpu.memref_slice %arg5[%select_n3A, %mul3A_189] : memref<50x512xi32, #tpu.memory_space<vmem>> -> memref<1x256xi32, #tpu.memory_space<vmem>>
      %dma_wait3A_196 = tpu.memref_squeeze %dma_wait3A_195 : memref<1x256xi32, #tpu.memory_space<vmem>> -> memref<256xi32, #tpu.memory_space<vmem>>
      %dma_wait3A_197 = arith.constant 0 : i32
      %dma_wait3A_198 = arith.constant 0 : i32
      %dma_wait3A_199 = tpu.memref_slice %arg3[%dma_wait3A_197, %dma_wait3A_198] : memref<2000000x64xf32, #tpu.memory_space<hbm>> -> memref<2000000x64xf32, #tpu.memory_space<hbm>>
      tpu.wait_indirect_dma semaphore(%arg7 : memref<!tpu.dma_semaphore, #tpu.memory_space<semaphore_mem>>) src(%dma_wait3A_199 : memref<2000000x64xf32, #tpu.memory_space<hbm>>) dst(%dma_wait3A_194 : memref<256x64xf32, #tpu.memory_space<vmem>>)
      %mul3A_200 = arith.constant 16384 : i32
      %mul3A_201 = arith.muli %select_n3A, %mul3A_200 : i32
      %add3A_202 = arith.addi %mul3A_201, %mul3A_2 : i32
      %mul3A_203 = arith.constant 256 : i32
      %mul3A_204 = arith.muli %select_n3A_187, %mul3A_203 : i32
      %add3A_205 = arith.addi %add3A_202, %mul3A_204 : i32
      %run_scoped3A_206 = arith.constant 0 : i32
      "tpu.region"() ({
        %run_scoped3A_729 = tpu.sem_alloc : memref<!tpu.dma_semaphore, #tpu.memory_space<semaphore_mem>>
        %dma_start3A_730 = arith.constant 0 : i32
        %dma_start3A_731 = arith.constant 0 : i32
        %dma_start3A_732 = tpu.memref_slice %arg6[%run_scoped3A_206, %dma_start3A_730, %dma_start3A_731] : memref<5x256x64xf32, #tpu.memory_space<vmem>> -> memref<1x256x64xf32, #tpu.memory_space<vmem>>
        %dma_start3A_733 = tpu.memref_squeeze %dma_start3A_732 : memref<1x256x64xf32, #tpu.memory_space<vmem>> -> memref<256x64xf32, #tpu.memory_space<vmem>>
        %dma_start3A_734 = arith.constant 0 : i32
        %dma_start3A_735 = tpu.memref_slice %arg4[%add3A_205, %dma_start3A_734] : memref<819200x128xf32, #tpu.memory_space<hbm>> -> memref<256x64xf32, #tpu.memory_space<hbm>>
        %dma_start3A_736 = arith.constant 0 : i32
        %dma_start3A_737 = tpu.memref_slice %arg4[%add3A_205, %dma_start3A_736] : memref<819200x128xf32, #tpu.memory_space<hbm>> -> memref<256x64xf32, #tpu.memory_space<hbm>>
        %dma_start3A_738 = arith.constant 0 : i32
        %dma_start3A_739 = arith.constant 0 : i32
        %dma_start3A_740 = tpu.memref_slice %arg6[%run_scoped3A_206, %dma_start3A_738, %dma_start3A_739] : memref<5x256x64xf32, #tpu.memory_space<vmem>> -> memref<1x256x64xf32, #tpu.memory_space<vmem>>
        %dma_start3A_741 = tpu.memref_squeeze %dma_start3A_740 : memref<1x256x64xf32, #tpu.memory_space<vmem>> -> memref<256x64xf32, #tpu.memory_space<vmem>>
        tpu.enqueue_dma source(%dma_start3A_741 : memref<256x64xf32, #tpu.memory_space<vmem>>) target(%dma_start3A_737 : memref<256x64xf32, #tpu.memory_space<hbm>>) target_semaphore(%run_scoped3A_729 : memref<!tpu.dma_semaphore, #tpu.memory_space<semaphore_mem>>)
        %dma_wait3A_742 = arith.constant 0 : i32
        %dma_wait3A_743 = arith.constant 0 : i32
        %dma_wait3A_744 = tpu.memref_slice %arg6[%run_scoped3A_206, %dma_wait3A_742, %dma_wait3A_743] : memref<5x256x64xf32, #tpu.memory_space<vmem>> -> memref<1x256x64xf32, #tpu.memory_space<vmem>>
        %dma_wait3A_745 = tpu.memref_squeeze %dma_wait3A_744 : memref<1x256x64xf32, #tpu.memory_space<vmem>> -> memref<256x64xf32, #tpu.memory_space<vmem>>
        %dma_wait3A_746 = arith.constant 0 : i32
        %dma_wait3A_747 = tpu.memref_slice %arg4[%add3A_205, %dma_wait3A_746] : memref<819200x128xf32, #tpu.memory_space<hbm>> -> memref<256x64xf32, #tpu.memory_space<hbm>>
        %dma_wait3A_748 = arith.constant 0 : i32
        %dma_wait3A_749 = tpu.memref_slice %arg4[%add3A_205, %dma_wait3A_748] : memref<819200x128xf32, #tpu.memory_space<hbm>> -> memref<256x64xf32, #tpu.memory_space<hbm>>
        %dma_wait3A_750 = arith.constant 0 : i32
        %dma_wait3A_751 = arith.constant 0 : i32
        %dma_wait3A_752 = tpu.memref_slice %arg6[%run_scoped3A_206, %dma_wait3A_750, %dma_wait3A_751] : memref<5x256x64xf32, #tpu.memory_space<vmem>> -> memref<1x256x64xf32, #tpu.memory_space<vmem>>
        %dma_wait3A_753 = tpu.memref_squeeze %dma_wait3A_752 : memref<1x256x64xf32, #tpu.memory_space<vmem>> -> memref<256x64xf32, #tpu.memory_space<vmem>>
        tpu.wait_dma2 semaphore(%run_scoped3A_729 : memref<!tpu.dma_semaphore, #tpu.memory_space<semaphore_mem>>) src(%dma_wait3A_753 : memref<256x64xf32, #tpu.memory_space<vmem>>) dst(%dma_wait3A_749 : memref<256x64xf32, #tpu.memory_space<hbm>>)
        tpu.yield
      }) : () -> ()
      %add3A_207 = arith.constant 5 : i32
      %add3A_208 = arith.addi %add3A_157, %add3A_207 : i32
      %jit3A_209 = arith.constant 2 : i32
      %div3A_210 = arith.divsi %add3A_208, %jit3A_209 : i32
      %sign3A_211 = arith.constant 0 : i32
      %sign3A_212 = arith.cmpi sgt, %add3A_208, %sign3A_211 : i32
      %sign3A_213 = arith.extui %sign3A_212 : i1 to i32
      %sign3A_214 = arith.constant 0 : i32
      %sign3A_215 = arith.cmpi slt, %add3A_208, %sign3A_214 : i32
      %sign3A_216 = arith.extui %sign3A_215 : i1 to i32
      %sign3A_217 = arith.subi %sign3A_213, %sign3A_216 : i32
      %sign3A_218 = arith.constant 0 : i32
      %sign3A_219 = arith.cmpi sgt, %jit3A_209, %sign3A_218 : i32
      %sign3A_220 = arith.extui %sign3A_219 : i1 to i32
      %sign3A_221 = arith.constant 0 : i32
      %sign3A_222 = arith.cmpi slt, %jit3A_209, %sign3A_221 : i32
      %sign3A_223 = arith.extui %sign3A_222 : i1 to i32
      %sign3A_224 = arith.subi %sign3A_220, %sign3A_223 : i32
      %ne3A_225 = arith.cmpi ne, %sign3A_217, %sign3A_224 : i32
      %rem3A_226 = arith.remsi %add3A_208, %jit3A_209 : i32
      %ne3A_227 = arith.constant 0 : i32
      %ne3A_228 = arith.cmpi ne, %rem3A_226, %ne3A_227 : i32
      %and3A_229 = arith.andi %ne3A_225, %ne3A_228 : i1
      %sub3A_230 = arith.constant 1 : i32
      %sub3A_231 = arith.subi %div3A_210, %sub3A_230 : i32
      %select_n3A_232 = arith.select %and3A_229, %sub3A_231, %div3A_210 : i32
      %jit3A_233 = arith.constant 2 : i32
      %eq3A_234 = arith.constant 0 : i32
      %eq3A_235 = arith.cmpi eq, %jit3A_233, %eq3A_234 : i32
      %jit3A_236 = arith.constant 1 : i32
      %select_n3A_237 = arith.select %eq3A_235, %jit3A_236, %jit3A_233 : i32
      %rem3A_238 = arith.remsi %add3A_208, %select_n3A_237 : i32
      %ne3A_239 = arith.constant 0 : i32
      %ne3A_240 = arith.cmpi ne, %rem3A_238, %ne3A_239 : i32
      %lt3A_241 = arith.constant 0 : i32
      %lt3A_242 = arith.cmpi slt, %rem3A_238, %lt3A_241 : i32
      %lt3A_243 = arith.constant 0 : i32
      %lt3A_244 = arith.cmpi slt, %select_n3A_237, %lt3A_243 : i32
      %ne3A_245 = arith.xori %lt3A_242, %lt3A_244 : i1
      %and3A_246 = arith.andi %ne3A_245, %ne3A_240 : i1
      %add3A_247 = arith.addi %rem3A_238, %select_n3A_237 : i32
      %select_n3A_248 = arith.select %and3A_246, %add3A_247, %rem3A_238 : i32
      %mul3A_249 = arith.constant 256 : i32
      %mul3A_250 = arith.muli %select_n3A_248, %mul3A_249 : i32
      %dma_start3A_251 = arith.constant 0 : i32
      %dma_start3A_252 = arith.constant 0 : i32
      %dma_start3A_253 = arith.constant 0 : i32
      %dma_start3A_254 = tpu.memref_slice %arg6[%dma_start3A_251, %dma_start3A_252, %dma_start3A_253] : memref<5x256x64xf32, #tpu.memory_space<vmem>> -> memref<1x256x64xf32, #tpu.memory_space<vmem>>
      %dma_start3A_255 = tpu.memref_squeeze %dma_start3A_254 : memref<1x256x64xf32, #tpu.memory_space<vmem>> -> memref<256x64xf32, #tpu.memory_space<vmem>>
      %dma_start3A_256 = tpu.memref_slice %arg5[%select_n3A_232, %mul3A_250] : memref<50x512xi32, #tpu.memory_space<vmem>> -> memref<1x256xi32, #tpu.memory_space<vmem>>
      %dma_start3A_257 = tpu.memref_squeeze %dma_start3A_256 : memref<1x256xi32, #tpu.memory_space<vmem>> -> memref<256xi32, #tpu.memory_space<vmem>>
      %dma_start3A_258 = arith.constant 0 : i32
      %dma_start3A_259 = arith.constant 0 : i32
      %dma_start3A_260 = tpu.memref_slice %arg3[%dma_start3A_258, %dma_start3A_259] : memref<2000000x64xf32, #tpu.memory_space<hbm>> -> memref<2000000x64xf32, #tpu.memory_space<hbm>>
      tpu.enqueue_indirect_dma source(%dma_start3A_260 : memref<2000000x64xf32, #tpu.memory_space<hbm>>) target(%dma_start3A_255 : memref<256x64xf32, #tpu.memory_space<vmem>>) offsets(%dma_start3A_257 : memref<256xi32, #tpu.memory_space<vmem>>) semaphore(%arg7 : memref<!tpu.dma_semaphore, #tpu.memory_space<semaphore_mem>>)
      %mul3A_261 = arith.constant 5 : i32
      %mul3A_262 = arith.muli %add3A_153, %mul3A_261 : i32
      %add3A_263 = arith.constant 1 : i32
      %add3A_264 = arith.addi %mul3A_262, %add3A_263 : i32
      %jit3A_265 = arith.constant 2 : i32
      %div3A_266 = arith.divsi %add3A_264, %jit3A_265 : i32
      %sign3A_267 = arith.constant 0 : i32
      %sign3A_268 = arith.cmpi sgt, %add3A_264, %sign3A_267 : i32
      %sign3A_269 = arith.extui %sign3A_268 : i1 to i32
      %sign3A_270 = arith.constant 0 : i32
      %sign3A_271 = arith.cmpi slt, %add3A_264, %sign3A_270 : i32
      %sign3A_272 = arith.extui %sign3A_271 : i1 to i32
      %sign3A_273 = arith.subi %sign3A_269, %sign3A_272 : i32
      %sign3A_274 = arith.constant 0 : i32
      %sign3A_275 = arith.cmpi sgt, %jit3A_265, %sign3A_274 : i32
      %sign3A_276 = arith.extui %sign3A_275 : i1 to i32
      %sign3A_277 = arith.constant 0 : i32
      %sign3A_278 = arith.cmpi slt, %jit3A_265, %sign3A_277 : i32
      %sign3A_279 = arith.extui %sign3A_278 : i1 to i32
      %sign3A_280 = arith.subi %sign3A_276, %sign3A_279 : i32
      %ne3A_281 = arith.cmpi ne, %sign3A_273, %sign3A_280 : i32
      %rem3A_282 = arith.remsi %add3A_264, %jit3A_265 : i32
      %ne3A_283 = arith.constant 0 : i32
      %ne3A_284 = arith.cmpi ne, %rem3A_282, %ne3A_283 : i32
      %and3A_285 = arith.andi %ne3A_281, %ne3A_284 : i1
      %sub3A_286 = arith.constant 1 : i32
      %sub3A_287 = arith.subi %div3A_266, %sub3A_286 : i32
      %select_n3A_288 = arith.select %and3A_285, %sub3A_287, %div3A_266 : i32
      %jit3A_289 = arith.constant 2 : i32
      %eq3A_290 = arith.constant 0 : i32
      %eq3A_291 = arith.cmpi eq, %jit3A_289, %eq3A_290 : i32
      %jit3A_292 = arith.constant 1 : i32
      %select_n3A_293 = arith.select %eq3A_291, %jit3A_292, %jit3A_289 : i32
      %rem3A_294 = arith.remsi %add3A_264, %select_n3A_293 : i32
      %ne3A_295 = arith.constant 0 : i32
      %ne3A_296 = arith.cmpi ne, %rem3A_294, %ne3A_295 : i32
      %lt3A_297 = arith.constant 0 : i32
      %lt3A_298 = arith.cmpi slt, %rem3A_294, %lt3A_297 : i32
      %lt3A_299 = arith.constant 0 : i32
      %lt3A_300 = arith.cmpi slt, %select_n3A_293, %lt3A_299 : i32
      %ne3A_301 = arith.xori %lt3A_298, %lt3A_300 : i1
      %and3A_302 = arith.andi %ne3A_301, %ne3A_296 : i1
      %add3A_303 = arith.addi %rem3A_294, %select_n3A_293 : i32
      %select_n3A_304 = arith.select %and3A_302, %add3A_303, %rem3A_294 : i32
      %mul3A_305 = arith.constant 256 : i32
      %mul3A_306 = arith.muli %select_n3A_304, %mul3A_305 : i32
      %dma_wait3A_307 = arith.constant 1 : i32
      %dma_wait3A_308 = arith.constant 0 : i32
      %dma_wait3A_309 = arith.constant 0 : i32
      %dma_wait3A_310 = tpu.memref_slice %arg6[%dma_wait3A_307, %dma_wait3A_308, %dma_wait3A_309] : memref<5x256x64xf32, #tpu.memory_space<vmem>> -> memref<1x256x64xf32, #tpu.memory_space<vmem>>
      %dma_wait3A_311 = tpu.memref_squeeze %dma_wait3A_310 : memref<1x256x64xf32, #tpu.memory_space<vmem>> -> memref<256x64xf32, #tpu.memory_space<vmem>>
      %dma_wait3A_312 = tpu.memref_slice %arg5[%select_n3A_288, %mul3A_306] : memref<50x512xi32, #tpu.memory_space<vmem>> -> memref<1x256xi32, #tpu.memory_space<vmem>>
      %dma_wait3A_313 = tpu.memref_squeeze %dma_wait3A_312 : memref<1x256xi32, #tpu.memory_space<vmem>> -> memref<256xi32, #tpu.memory_space<vmem>>
      %dma_wait3A_314 = arith.constant 0 : i32
      %dma_wait3A_315 = arith.constant 0 : i32
      %dma_wait3A_316 = tpu.memref_slice %arg3[%dma_wait3A_314, %dma_wait3A_315] : memref<2000000x64xf32, #tpu.memory_space<hbm>> -> memref<2000000x64xf32, #tpu.memory_space<hbm>>
      tpu.wait_indirect_dma semaphore(%arg8 : memref<!tpu.dma_semaphore, #tpu.memory_space<semaphore_mem>>) src(%dma_wait3A_316 : memref<2000000x64xf32, #tpu.memory_space<hbm>>) dst(%dma_wait3A_311 : memref<256x64xf32, #tpu.memory_space<vmem>>)
      %mul3A_317 = arith.constant 16384 : i32
      %mul3A_318 = arith.muli %select_n3A_288, %mul3A_317 : i32
      %add3A_319 = arith.addi %mul3A_318, %mul3A_2 : i32
      %mul3A_320 = arith.constant 256 : i32
      %mul3A_321 = arith.muli %select_n3A_304, %mul3A_320 : i32
      %add3A_322 = arith.addi %add3A_319, %mul3A_321 : i32
      %run_scoped3A_323 = arith.constant 1 : i32
      "tpu.region"() ({
        %run_scoped3A_729 = tpu.sem_alloc : memref<!tpu.dma_semaphore, #tpu.memory_space<semaphore_mem>>
        %dma_start3A_730 = arith.constant 0 : i32
        %dma_start3A_731 = arith.constant 0 : i32
        %dma_start3A_732 = tpu.memref_slice %arg6[%run_scoped3A_323, %dma_start3A_730, %dma_start3A_731] : memref<5x256x64xf32, #tpu.memory_space<vmem>> -> memref<1x256x64xf32, #tpu.memory_space<vmem>>
        %dma_start3A_733 = tpu.memref_squeeze %dma_start3A_732 : memref<1x256x64xf32, #tpu.memory_space<vmem>> -> memref<256x64xf32, #tpu.memory_space<vmem>>
        %dma_start3A_734 = arith.constant 0 : i32
        %dma_start3A_735 = tpu.memref_slice %arg4[%add3A_322, %dma_start3A_734] : memref<819200x128xf32, #tpu.memory_space<hbm>> -> memref<256x64xf32, #tpu.memory_space<hbm>>
        %dma_start3A_736 = arith.constant 0 : i32
        %dma_start3A_737 = tpu.memref_slice %arg4[%add3A_322, %dma_start3A_736] : memref<819200x128xf32, #tpu.memory_space<hbm>> -> memref<256x64xf32, #tpu.memory_space<hbm>>
        %dma_start3A_738 = arith.constant 0 : i32
        %dma_start3A_739 = arith.constant 0 : i32
        %dma_start3A_740 = tpu.memref_slice %arg6[%run_scoped3A_323, %dma_start3A_738, %dma_start3A_739] : memref<5x256x64xf32, #tpu.memory_space<vmem>> -> memref<1x256x64xf32, #tpu.memory_space<vmem>>
        %dma_start3A_741 = tpu.memref_squeeze %dma_start3A_740 : memref<1x256x64xf32, #tpu.memory_space<vmem>> -> memref<256x64xf32, #tpu.memory_space<vmem>>
        tpu.enqueue_dma source(%dma_start3A_741 : memref<256x64xf32, #tpu.memory_space<vmem>>) target(%dma_start3A_737 : memref<256x64xf32, #tpu.memory_space<hbm>>) target_semaphore(%run_scoped3A_729 : memref<!tpu.dma_semaphore, #tpu.memory_space<semaphore_mem>>)
        %dma_wait3A_742 = arith.constant 0 : i32
        %dma_wait3A_743 = arith.constant 0 : i32
        %dma_wait3A_744 = tpu.memref_slice %arg6[%run_scoped3A_323, %dma_wait3A_742, %dma_wait3A_743] : memref<5x256x64xf32, #tpu.memory_space<vmem>> -> memref<1x256x64xf32, #tpu.memory_space<vmem>>
        %dma_wait3A_745 = tpu.memref_squeeze %dma_wait3A_744 : memref<1x256x64xf32, #tpu.memory_space<vmem>> -> memref<256x64xf32, #tpu.memory_space<vmem>>
        %dma_wait3A_746 = arith.constant 0 : i32
        %dma_wait3A_747 = tpu.memref_slice %arg4[%add3A_322, %dma_wait3A_746] : memref<819200x128xf32, #tpu.memory_space<hbm>> -> memref<256x64xf32, #tpu.memory_space<hbm>>
        %dma_wait3A_748 = arith.constant 0 : i32
        %dma_wait3A_749 = tpu.memref_slice %arg4[%add3A_322, %dma_wait3A_748] : memref<819200x128xf32, #tpu.memory_space<hbm>> -> memref<256x64xf32, #tpu.memory_space<hbm>>
        %dma_wait3A_750 = arith.constant 0 : i32
        %dma_wait3A_751 = arith.constant 0 : i32
        %dma_wait3A_752 = tpu.memref_slice %arg6[%run_scoped3A_323, %dma_wait3A_750, %dma_wait3A_751] : memref<5x256x64xf32, #tpu.memory_space<vmem>> -> memref<1x256x64xf32, #tpu.memory_space<vmem>>
        %dma_wait3A_753 = tpu.memref_squeeze %dma_wait3A_752 : memref<1x256x64xf32, #tpu.memory_space<vmem>> -> memref<256x64xf32, #tpu.memory_space<vmem>>
        tpu.wait_dma2 semaphore(%run_scoped3A_729 : memref<!tpu.dma_semaphore, #tpu.memory_space<semaphore_mem>>) src(%dma_wait3A_753 : memref<256x64xf32, #tpu.memory_space<vmem>>) dst(%dma_wait3A_749 : memref<256x64xf32, #tpu.memory_space<hbm>>)
        tpu.yield
      }) : () -> ()
      %add3A_324 = arith.constant 5 : i32
      %add3A_325 = arith.addi %add3A_264, %add3A_324 : i32
      %jit3A_326 = arith.constant 2 : i32
      %div3A_327 = arith.divsi %add3A_325, %jit3A_326 : i32
      %sign3A_328 = arith.constant 0 : i32
      %sign3A_329 = arith.cmpi sgt, %add3A_325, %sign3A_328 : i32
      %sign3A_330 = arith.extui %sign3A_329 : i1 to i32
      %sign3A_331 = arith.constant 0 : i32
      %sign3A_332 = arith.cmpi slt, %add3A_325, %sign3A_331 : i32
      %sign3A_333 = arith.extui %sign3A_332 : i1 to i32
      %sign3A_334 = arith.subi %sign3A_330, %sign3A_333 : i32
      %sign3A_335 = arith.constant 0 : i32
      %sign3A_336 = arith.cmpi sgt, %jit3A_326, %sign3A_335 : i32
      %sign3A_337 = arith.extui %sign3A_336 : i1 to i32
      %sign3A_338 = arith.constant 0 : i32
      %sign3A_339 = arith.cmpi slt, %jit3A_326, %sign3A_338 : i32
      %sign3A_340 = arith.extui %sign3A_339 : i1 to i32
      %sign3A_341 = arith.subi %sign3A_337, %sign3A_340 : i32
      %ne3A_342 = arith.cmpi ne, %sign3A_334, %sign3A_341 : i32
      %rem3A_343 = arith.remsi %add3A_325, %jit3A_326 : i32
      %ne3A_344 = arith.constant 0 : i32
      %ne3A_345 = arith.cmpi ne, %rem3A_343, %ne3A_344 : i32
      %and3A_346 = arith.andi %ne3A_342, %ne3A_345 : i1
      %sub3A_347 = arith.constant 1 : i32
      %sub3A_348 = arith.subi %div3A_327, %sub3A_347 : i32
      %select_n3A_349 = arith.select %and3A_346, %sub3A_348, %div3A_327 : i32
      %jit3A_350 = arith.constant 2 : i32
      %eq3A_351 = arith.constant 0 : i32
      %eq3A_352 = arith.cmpi eq, %jit3A_350, %eq3A_351 : i32
      %jit3A_353 = arith.constant 1 : i32
      %select_n3A_354 = arith.select %eq3A_352, %jit3A_353, %jit3A_350 : i32
      %rem3A_355 = arith.remsi %add3A_325, %select_n3A_354 : i32
      %ne3A_356 = arith.constant 0 : i32
      %ne3A_357 = arith.cmpi ne, %rem3A_355, %ne3A_356 : i32
      %lt3A_358 = arith.constant 0 : i32
      %lt3A_359 = arith.cmpi slt, %rem3A_355, %lt3A_358 : i32
      %lt3A_360 = arith.constant 0 : i32
      %lt3A_361 = arith.cmpi slt, %select_n3A_354, %lt3A_360 : i32
      %ne3A_362 = arith.xori %lt3A_359, %lt3A_361 : i1
      %and3A_363 = arith.andi %ne3A_362, %ne3A_357 : i1
      %add3A_364 = arith.addi %rem3A_355, %select_n3A_354 : i32
      %select_n3A_365 = arith.select %and3A_363, %add3A_364, %rem3A_355 : i32
      %mul3A_366 = arith.constant 256 : i32
      %mul3A_367 = arith.muli %select_n3A_365, %mul3A_366 : i32
      %dma_start3A_368 = arith.constant 1 : i32
      %dma_start3A_369 = arith.constant 0 : i32
      %dma_start3A_370 = arith.constant 0 : i32
      %dma_start3A_371 = tpu.memref_slice %arg6[%dma_start3A_368, %dma_start3A_369, %dma_start3A_370] : memref<5x256x64xf32, #tpu.memory_space<vmem>> -> memref<1x256x64xf32, #tpu.memory_space<vmem>>
      %dma_start3A_372 = tpu.memref_squeeze %dma_start3A_371 : memref<1x256x64xf32, #tpu.memory_space<vmem>> -> memref<256x64xf32, #tpu.memory_space<vmem>>
      %dma_start3A_373 = tpu.memref_slice %arg5[%select_n3A_349, %mul3A_367] : memref<50x512xi32, #tpu.memory_space<vmem>> -> memref<1x256xi32, #tpu.memory_space<vmem>>
      %dma_start3A_374 = tpu.memref_squeeze %dma_start3A_373 : memref<1x256xi32, #tpu.memory_space<vmem>> -> memref<256xi32, #tpu.memory_space<vmem>>
      %dma_start3A_375 = arith.constant 0 : i32
      %dma_start3A_376 = arith.constant 0 : i32
      %dma_start3A_377 = tpu.memref_slice %arg3[%dma_start3A_375, %dma_start3A_376] : memref<2000000x64xf32, #tpu.memory_space<hbm>> -> memref<2000000x64xf32, #tpu.memory_space<hbm>>
      tpu.enqueue_indirect_dma source(%dma_start3A_377 : memref<2000000x64xf32, #tpu.memory_space<hbm>>) target(%dma_start3A_372 : memref<256x64xf32, #tpu.memory_space<vmem>>) offsets(%dma_start3A_374 : memref<256xi32, #tpu.memory_space<vmem>>) semaphore(%arg8 : memref<!tpu.dma_semaphore, #tpu.memory_space<semaphore_mem>>)
      %mul3A_378 = arith.constant 5 : i32
      %mul3A_379 = arith.muli %add3A_153, %mul3A_378 : i32
      %add3A_380 = arith.constant 2 : i32
      %add3A_381 = arith.addi %mul3A_379, %add3A_380 : i32
      %jit3A_382 = arith.constant 2 : i32
      %div3A_383 = arith.divsi %add3A_381, %jit3A_382 : i32
      %sign3A_384 = arith.constant 0 : i32
      %sign3A_385 = arith.cmpi sgt, %add3A_381, %sign3A_384 : i32
      %sign3A_386 = arith.extui %sign3A_385 : i1 to i32
      %sign3A_387 = arith.constant 0 : i32
      %sign3A_388 = arith.cmpi slt, %add3A_381, %sign3A_387 : i32
      %sign3A_389 = arith.extui %sign3A_388 : i1 to i32
      %sign3A_390 = arith.subi %sign3A_386, %sign3A_389 : i32
      %sign3A_391 = arith.constant 0 : i32
      %sign3A_392 = arith.cmpi sgt, %jit3A_382, %sign3A_391 : i32
      %sign3A_393 = arith.extui %sign3A_392 : i1 to i32
      %sign3A_394 = arith.constant 0 : i32
      %sign3A_395 = arith.cmpi slt, %jit3A_382, %sign3A_394 : i32
      %sign3A_396 = arith.extui %sign3A_395 : i1 to i32
      %sign3A_397 = arith.subi %sign3A_393, %sign3A_396 : i32
      %ne3A_398 = arith.cmpi ne, %sign3A_390, %sign3A_397 : i32
      %rem3A_399 = arith.remsi %add3A_381, %jit3A_382 : i32
      %ne3A_400 = arith.constant 0 : i32
      %ne3A_401 = arith.cmpi ne, %rem3A_399, %ne3A_400 : i32
      %and3A_402 = arith.andi %ne3A_398, %ne3A_401 : i1
      %sub3A_403 = arith.constant 1 : i32
      %sub3A_404 = arith.subi %div3A_383, %sub3A_403 : i32
      %select_n3A_405 = arith.select %and3A_402, %sub3A_404, %div3A_383 : i32
      %jit3A_406 = arith.constant 2 : i32
      %eq3A_407 = arith.constant 0 : i32
      %eq3A_408 = arith.cmpi eq, %jit3A_406, %eq3A_407 : i32
      %jit3A_409 = arith.constant 1 : i32
      %select_n3A_410 = arith.select %eq3A_408, %jit3A_409, %jit3A_406 : i32
      %rem3A_411 = arith.remsi %add3A_381, %select_n3A_410 : i32
      %ne3A_412 = arith.constant 0 : i32
      %ne3A_413 = arith.cmpi ne, %rem3A_411, %ne3A_412 : i32
      %lt3A_414 = arith.constant 0 : i32
      %lt3A_415 = arith.cmpi slt, %rem3A_411, %lt3A_414 : i32
      %lt3A_416 = arith.constant 0 : i32
      %lt3A_417 = arith.cmpi slt, %select_n3A_410, %lt3A_416 : i32
      %ne3A_418 = arith.xori %lt3A_415, %lt3A_417 : i1
      %and3A_419 = arith.andi %ne3A_418, %ne3A_413 : i1
      %add3A_420 = arith.addi %rem3A_411, %select_n3A_410 : i32
      %select_n3A_421 = arith.select %and3A_419, %add3A_420, %rem3A_411 : i32
      %mul3A_422 = arith.constant 256 : i32
      %mul3A_423 = arith.muli %select_n3A_421, %mul3A_422 : i32
      %dma_wait3A_424 = arith.constant 2 : i32
      %dma_wait3A_425 = arith.constant 0 : i32
      %dma_wait3A_426 = arith.constant 0 : i32
      %dma_wait3A_427 = tpu.memref_slice %arg6[%dma_wait3A_424, %dma_wait3A_425, %dma_wait3A_426] : memref<5x256x64xf32, #tpu.memory_space<vmem>> -> memref<1x256x64xf32, #tpu.memory_space<vmem>>
      %dma_wait3A_428 = tpu.memref_squeeze %dma_wait3A_427 : memref<1x256x64xf32, #tpu.memory_space<vmem>> -> memref<256x64xf32, #tpu.memory_space<vmem>>
      %dma_wait3A_429 = tpu.memref_slice %arg5[%select_n3A_405, %mul3A_423] : memref<50x512xi32, #tpu.memory_space<vmem>> -> memref<1x256xi32, #tpu.memory_space<vmem>>
      %dma_wait3A_430 = tpu.memref_squeeze %dma_wait3A_429 : memref<1x256xi32, #tpu.memory_space<vmem>> -> memref<256xi32, #tpu.memory_space<vmem>>
      %dma_wait3A_431 = arith.constant 0 : i32
      %dma_wait3A_432 = arith.constant 0 : i32
      %dma_wait3A_433 = tpu.memref_slice %arg3[%dma_wait3A_431, %dma_wait3A_432] : memref<2000000x64xf32, #tpu.memory_space<hbm>> -> memref<2000000x64xf32, #tpu.memory_space<hbm>>
      tpu.wait_indirect_dma semaphore(%arg9 : memref<!tpu.dma_semaphore, #tpu.memory_space<semaphore_mem>>) src(%dma_wait3A_433 : memref<2000000x64xf32, #tpu.memory_space<hbm>>) dst(%dma_wait3A_428 : memref<256x64xf32, #tpu.memory_space<vmem>>)
      %mul3A_434 = arith.constant 16384 : i32
      %mul3A_435 = arith.muli %select_n3A_405, %mul3A_434 : i32
      %add3A_436 = arith.addi %mul3A_435, %mul3A_2 : i32
      %mul3A_437 = arith.constant 256 : i32
      %mul3A_438 = arith.muli %select_n3A_421, %mul3A_437 : i32
      %add3A_439 = arith.addi %add3A_436, %mul3A_438 : i32
      %run_scoped3A_440 = arith.constant 2 : i32
      "tpu.region"() ({
        %run_scoped3A_729 = tpu.sem_alloc : memref<!tpu.dma_semaphore, #tpu.memory_space<semaphore_mem>>
        %dma_start3A_730 = arith.constant 0 : i32
        %dma_start3A_731 = arith.constant 0 : i32
        %dma_start3A_732 = tpu.memref_slice %arg6[%run_scoped3A_440, %dma_start3A_730, %dma_start3A_731] : memref<5x256x64xf32, #tpu.memory_space<vmem>> -> memref<1x256x64xf32, #tpu.memory_space<vmem>>
        %dma_start3A_733 = tpu.memref_squeeze %dma_start3A_732 : memref<1x256x64xf32, #tpu.memory_space<vmem>> -> memref<256x64xf32, #tpu.memory_space<vmem>>
        %dma_start3A_734 = arith.constant 0 : i32
        %dma_start3A_735 = tpu.memref_slice %arg4[%add3A_439, %dma_start3A_734] : memref<819200x128xf32, #tpu.memory_space<hbm>> -> memref<256x64xf32, #tpu.memory_space<hbm>>
        %dma_start3A_736 = arith.constant 0 : i32
        %dma_start3A_737 = tpu.memref_slice %arg4[%add3A_439, %dma_start3A_736] : memref<819200x128xf32, #tpu.memory_space<hbm>> -> memref<256x64xf32, #tpu.memory_space<hbm>>
        %dma_start3A_738 = arith.constant 0 : i32
        %dma_start3A_739 = arith.constant 0 : i32
        %dma_start3A_740 = tpu.memref_slice %arg6[%run_scoped3A_440, %dma_start3A_738, %dma_start3A_739] : memref<5x256x64xf32, #tpu.memory_space<vmem>> -> memref<1x256x64xf32, #tpu.memory_space<vmem>>
        %dma_start3A_741 = tpu.memref_squeeze %dma_start3A_740 : memref<1x256x64xf32, #tpu.memory_space<vmem>> -> memref<256x64xf32, #tpu.memory_space<vmem>>
        tpu.enqueue_dma source(%dma_start3A_741 : memref<256x64xf32, #tpu.memory_space<vmem>>) target(%dma_start3A_737 : memref<256x64xf32, #tpu.memory_space<hbm>>) target_semaphore(%run_scoped3A_729 : memref<!tpu.dma_semaphore, #tpu.memory_space<semaphore_mem>>)
        %dma_wait3A_742 = arith.constant 0 : i32
        %dma_wait3A_743 = arith.constant 0 : i32
        %dma_wait3A_744 = tpu.memref_slice %arg6[%run_scoped3A_440, %dma_wait3A_742, %dma_wait3A_743] : memref<5x256x64xf32, #tpu.memory_space<vmem>> -> memref<1x256x64xf32, #tpu.memory_space<vmem>>
        %dma_wait3A_745 = tpu.memref_squeeze %dma_wait3A_744 : memref<1x256x64xf32, #tpu.memory_space<vmem>> -> memref<256x64xf32, #tpu.memory_space<vmem>>
        %dma_wait3A_746 = arith.constant 0 : i32
        %dma_wait3A_747 = tpu.memref_slice %arg4[%add3A_439, %dma_wait3A_746] : memref<819200x128xf32, #tpu.memory_space<hbm>> -> memref<256x64xf32, #tpu.memory_space<hbm>>
        %dma_wait3A_748 = arith.constant 0 : i32
        %dma_wait3A_749 = tpu.memref_slice %arg4[%add3A_439, %dma_wait3A_748] : memref<819200x128xf32, #tpu.memory_space<hbm>> -> memref<256x64xf32, #tpu.memory_space<hbm>>
        %dma_wait3A_750 = arith.constant 0 : i32
        %dma_wait3A_751 = arith.constant 0 : i32
        %dma_wait3A_752 = tpu.memref_slice %arg6[%run_scoped3A_440, %dma_wait3A_750, %dma_wait3A_751] : memref<5x256x64xf32, #tpu.memory_space<vmem>> -> memref<1x256x64xf32, #tpu.memory_space<vmem>>
        %dma_wait3A_753 = tpu.memref_squeeze %dma_wait3A_752 : memref<1x256x64xf32, #tpu.memory_space<vmem>> -> memref<256x64xf32, #tpu.memory_space<vmem>>
        tpu.wait_dma2 semaphore(%run_scoped3A_729 : memref<!tpu.dma_semaphore, #tpu.memory_space<semaphore_mem>>) src(%dma_wait3A_753 : memref<256x64xf32, #tpu.memory_space<vmem>>) dst(%dma_wait3A_749 : memref<256x64xf32, #tpu.memory_space<hbm>>)
        tpu.yield
      }) : () -> ()
      %add3A_441 = arith.constant 5 : i32
      %add3A_442 = arith.addi %add3A_381, %add3A_441 : i32
      %jit3A_443 = arith.constant 2 : i32
      %div3A_444 = arith.divsi %add3A_442, %jit3A_443 : i32
      %sign3A_445 = arith.constant 0 : i32
      %sign3A_446 = arith.cmpi sgt, %add3A_442, %sign3A_445 : i32
      %sign3A_447 = arith.extui %sign3A_446 : i1 to i32
      %sign3A_448 = arith.constant 0 : i32
      %sign3A_449 = arith.cmpi slt, %add3A_442, %sign3A_448 : i32
      %sign3A_450 = arith.extui %sign3A_449 : i1 to i32
      %sign3A_451 = arith.subi %sign3A_447, %sign3A_450 : i32
      %sign3A_452 = arith.constant 0 : i32
      %sign3A_453 = arith.cmpi sgt, %jit3A_443, %sign3A_452 : i32
      %sign3A_454 = arith.extui %sign3A_453 : i1 to i32
      %sign3A_455 = arith.constant 0 : i32
      %sign3A_456 = arith.cmpi slt, %jit3A_443, %sign3A_455 : i32
      %sign3A_457 = arith.extui %sign3A_456 : i1 to i32
      %sign3A_458 = arith.subi %sign3A_454, %sign3A_457 : i32
      %ne3A_459 = arith.cmpi ne, %sign3A_451, %sign3A_458 : i32
      %rem3A_460 = arith.remsi %add3A_442, %jit3A_443 : i32
      %ne3A_461 = arith.constant 0 : i32
      %ne3A_462 = arith.cmpi ne, %rem3A_460, %ne3A_461 : i32
      %and3A_463 = arith.andi %ne3A_459, %ne3A_462 : i1
      %sub3A_464 = arith.constant 1 : i32
      %sub3A_465 = arith.subi %div3A_444, %sub3A_464 : i32
      %select_n3A_466 = arith.select %and3A_463, %sub3A_465, %div3A_444 : i32
      %jit3A_467 = arith.constant 2 : i32
      %eq3A_468 = arith.constant 0 : i32
      %eq3A_469 = arith.cmpi eq, %jit3A_467, %eq3A_468 : i32
      %jit3A_470 = arith.constant 1 : i32
      %select_n3A_471 = arith.select %eq3A_469, %jit3A_470, %jit3A_467 : i32
      %rem3A_472 = arith.remsi %add3A_442, %select_n3A_471 : i32
      %ne3A_473 = arith.constant 0 : i32
      %ne3A_474 = arith.cmpi ne, %rem3A_472, %ne3A_473 : i32
      %lt3A_475 = arith.constant 0 : i32
      %lt3A_476 = arith.cmpi slt, %rem3A_472, %lt3A_475 : i32
      %lt3A_477 = arith.constant 0 : i32
      %lt3A_478 = arith.cmpi slt, %select_n3A_471, %lt3A_477 : i32
      %ne3A_479 = arith.xori %lt3A_476, %lt3A_478 : i1
      %and3A_480 = arith.andi %ne3A_479, %ne3A_474 : i1
      %add3A_481 = arith.addi %rem3A_472, %select_n3A_471 : i32
      %select_n3A_482 = arith.select %and3A_480, %add3A_481, %rem3A_472 : i32
      %mul3A_483 = arith.constant 256 : i32
      %mul3A_484 = arith.muli %select_n3A_482, %mul3A_483 : i32
      %dma_start3A_485 = arith.constant 2 : i32
      %dma_start3A_486 = arith.constant 0 : i32
      %dma_start3A_487 = arith.constant 0 : i32
      %dma_start3A_488 = tpu.memref_slice %arg6[%dma_start3A_485, %dma_start3A_486, %dma_start3A_487] : memref<5x256x64xf32, #tpu.memory_space<vmem>> -> memref<1x256x64xf32, #tpu.memory_space<vmem>>
      %dma_start3A_489 = tpu.memref_squeeze %dma_start3A_488 : memref<1x256x64xf32, #tpu.memory_space<vmem>> -> memref<256x64xf32, #tpu.memory_space<vmem>>
      %dma_start3A_490 = tpu.memref_slice %arg5[%select_n3A_466, %mul3A_484] : memref<50x512xi32, #tpu.memory_space<vmem>> -> memref<1x256xi32, #tpu.memory_space<vmem>>
      %dma_start3A_491 = tpu.memref_squeeze %dma_start3A_490 : memref<1x256xi32, #tpu.memory_space<vmem>> -> memref<256xi32, #tpu.memory_space<vmem>>
      %dma_start3A_492 = arith.constant 0 : i32
      %dma_start3A_493 = arith.constant 0 : i32
      %dma_start3A_494 = tpu.memref_slice %arg3[%dma_start3A_492, %dma_start3A_493] : memref<2000000x64xf32, #tpu.memory_space<hbm>> -> memref<2000000x64xf32, #tpu.memory_space<hbm>>
      tpu.enqueue_indirect_dma source(%dma_start3A_494 : memref<2000000x64xf32, #tpu.memory_space<hbm>>) target(%dma_start3A_489 : memref<256x64xf32, #tpu.memory_space<vmem>>) offsets(%dma_start3A_491 : memref<256xi32, #tpu.memory_space<vmem>>) semaphore(%arg9 : memref<!tpu.dma_semaphore, #tpu.memory_space<semaphore_mem>>)
      %mul3A_495 = arith.constant 5 : i32
      %mul3A_496 = arith.muli %add3A_153, %mul3A_495 : i32
      %add3A_497 = arith.constant 3 : i32
      %add3A_498 = arith.addi %mul3A_496, %add3A_497 : i32
      %jit3A_499 = arith.constant 2 : i32
      %div3A_500 = arith.divsi %add3A_498, %jit3A_499 : i32
      %sign3A_501 = arith.constant 0 : i32
      %sign3A_502 = arith.cmpi sgt, %add3A_498, %sign3A_501 : i32
      %sign3A_503 = arith.extui %sign3A_502 : i1 to i32
      %sign3A_504 = arith.constant 0 : i32
      %sign3A_505 = arith.cmpi slt, %add3A_498, %sign3A_504 : i32
      %sign3A_506 = arith.extui %sign3A_505 : i1 to i32
      %sign3A_507 = arith.subi %sign3A_503, %sign3A_506 : i32
      %sign3A_508 = arith.constant 0 : i32
      %sign3A_509 = arith.cmpi sgt, %jit3A_499, %sign3A_508 : i32
      %sign3A_510 = arith.extui %sign3A_509 : i1 to i32
      %sign3A_511 = arith.constant 0 : i32
      %sign3A_512 = arith.cmpi slt, %jit3A_499, %sign3A_511 : i32
      %sign3A_513 = arith.extui %sign3A_512 : i1 to i32
      %sign3A_514 = arith.subi %sign3A_510, %sign3A_513 : i32
      %ne3A_515 = arith.cmpi ne, %sign3A_507, %sign3A_514 : i32
      %rem3A_516 = arith.remsi %add3A_498, %jit3A_499 : i32
      %ne3A_517 = arith.constant 0 : i32
      %ne3A_518 = arith.cmpi ne, %rem3A_516, %ne3A_517 : i32
      %and3A_519 = arith.andi %ne3A_515, %ne3A_518 : i1
      %sub3A_520 = arith.constant 1 : i32
      %sub3A_521 = arith.subi %div3A_500, %sub3A_520 : i32
      %select_n3A_522 = arith.select %and3A_519, %sub3A_521, %div3A_500 : i32
      %jit3A_523 = arith.constant 2 : i32
      %eq3A_524 = arith.constant 0 : i32
      %eq3A_525 = arith.cmpi eq, %jit3A_523, %eq3A_524 : i32
      %jit3A_526 = arith.constant 1 : i32
      %select_n3A_527 = arith.select %eq3A_525, %jit3A_526, %jit3A_523 : i32
      %rem3A_528 = arith.remsi %add3A_498, %select_n3A_527 : i32
      %ne3A_529 = arith.constant 0 : i32
      %ne3A_530 = arith.cmpi ne, %rem3A_528, %ne3A_529 : i32
      %lt3A_531 = arith.constant 0 : i32
      %lt3A_532 = arith.cmpi slt, %rem3A_528, %lt3A_531 : i32
      %lt3A_533 = arith.constant 0 : i32
      %lt3A_534 = arith.cmpi slt, %select_n3A_527, %lt3A_533 : i32
      %ne3A_535 = arith.xori %lt3A_532, %lt3A_534 : i1
      %and3A_536 = arith.andi %ne3A_535, %ne3A_530 : i1
      %add3A_537 = arith.addi %rem3A_528, %select_n3A_527 : i32
      %select_n3A_538 = arith.select %and3A_536, %add3A_537, %rem3A_528 : i32
      %mul3A_539 = arith.constant 256 : i32
      %mul3A_540 = arith.muli %select_n3A_538, %mul3A_539 : i32
      %dma_wait3A_541 = arith.constant 3 : i32
      %dma_wait3A_542 = arith.constant 0 : i32
      %dma_wait3A_543 = arith.constant 0 : i32
      %dma_wait3A_544 = tpu.memref_slice %arg6[%dma_wait3A_541, %dma_wait3A_542, %dma_wait3A_543] : memref<5x256x64xf32, #tpu.memory_space<vmem>> -> memref<1x256x64xf32, #tpu.memory_space<vmem>>
      %dma_wait3A_545 = tpu.memref_squeeze %dma_wait3A_544 : memref<1x256x64xf32, #tpu.memory_space<vmem>> -> memref<256x64xf32, #tpu.memory_space<vmem>>
      %dma_wait3A_546 = tpu.memref_slice %arg5[%select_n3A_522, %mul3A_540] : memref<50x512xi32, #tpu.memory_space<vmem>> -> memref<1x256xi32, #tpu.memory_space<vmem>>
      %dma_wait3A_547 = tpu.memref_squeeze %dma_wait3A_546 : memref<1x256xi32, #tpu.memory_space<vmem>> -> memref<256xi32, #tpu.memory_space<vmem>>
      %dma_wait3A_548 = arith.constant 0 : i32
      %dma_wait3A_549 = arith.constant 0 : i32
      %dma_wait3A_550 = tpu.memref_slice %arg3[%dma_wait3A_548, %dma_wait3A_549] : memref<2000000x64xf32, #tpu.memory_space<hbm>> -> memref<2000000x64xf32, #tpu.memory_space<hbm>>
      tpu.wait_indirect_dma semaphore(%arg10 : memref<!tpu.dma_semaphore, #tpu.memory_space<semaphore_mem>>) src(%dma_wait3A_550 : memref<2000000x64xf32, #tpu.memory_space<hbm>>) dst(%dma_wait3A_545 : memref<256x64xf32, #tpu.memory_space<vmem>>)
      %mul3A_551 = arith.constant 16384 : i32
      %mul3A_552 = arith.muli %select_n3A_522, %mul3A_551 : i32
      %add3A_553 = arith.addi %mul3A_552, %mul3A_2 : i32
      %mul3A_554 = arith.constant 256 : i32
      %mul3A_555 = arith.muli %select_n3A_538, %mul3A_554 : i32
      %add3A_556 = arith.addi %add3A_553, %mul3A_555 : i32
      %run_scoped3A_557 = arith.constant 3 : i32
      "tpu.region"() ({
        %run_scoped3A_729 = tpu.sem_alloc : memref<!tpu.dma_semaphore, #tpu.memory_space<semaphore_mem>>
        %dma_start3A_730 = arith.constant 0 : i32
        %dma_start3A_731 = arith.constant 0 : i32
        %dma_start3A_732 = tpu.memref_slice %arg6[%run_scoped3A_557, %dma_start3A_730, %dma_start3A_731] : memref<5x256x64xf32, #tpu.memory_space<vmem>> -> memref<1x256x64xf32, #tpu.memory_space<vmem>>
        %dma_start3A_733 = tpu.memref_squeeze %dma_start3A_732 : memref<1x256x64xf32, #tpu.memory_space<vmem>> -> memref<256x64xf32, #tpu.memory_space<vmem>>
        %dma_start3A_734 = arith.constant 0 : i32
        %dma_start3A_735 = tpu.memref_slice %arg4[%add3A_556, %dma_start3A_734] : memref<819200x128xf32, #tpu.memory_space<hbm>> -> memref<256x64xf32, #tpu.memory_space<hbm>>
        %dma_start3A_736 = arith.constant 0 : i32
        %dma_start3A_737 = tpu.memref_slice %arg4[%add3A_556, %dma_start3A_736] : memref<819200x128xf32, #tpu.memory_space<hbm>> -> memref<256x64xf32, #tpu.memory_space<hbm>>
        %dma_start3A_738 = arith.constant 0 : i32
        %dma_start3A_739 = arith.constant 0 : i32
        %dma_start3A_740 = tpu.memref_slice %arg6[%run_scoped3A_557, %dma_start3A_738, %dma_start3A_739] : memref<5x256x64xf32, #tpu.memory_space<vmem>> -> memref<1x256x64xf32, #tpu.memory_space<vmem>>
        %dma_start3A_741 = tpu.memref_squeeze %dma_start3A_740 : memref<1x256x64xf32, #tpu.memory_space<vmem>> -> memref<256x64xf32, #tpu.memory_space<vmem>>
        tpu.enqueue_dma source(%dma_start3A_741 : memref<256x64xf32, #tpu.memory_space<vmem>>) target(%dma_start3A_737 : memref<256x64xf32, #tpu.memory_space<hbm>>) target_semaphore(%run_scoped3A_729 : memref<!tpu.dma_semaphore, #tpu.memory_space<semaphore_mem>>)
        %dma_wait3A_742 = arith.constant 0 : i32
        %dma_wait3A_743 = arith.constant 0 : i32
        %dma_wait3A_744 = tpu.memref_slice %arg6[%run_scoped3A_557, %dma_wait3A_742, %dma_wait3A_743] : memref<5x256x64xf32, #tpu.memory_space<vmem>> -> memref<1x256x64xf32, #tpu.memory_space<vmem>>
        %dma_wait3A_745 = tpu.memref_squeeze %dma_wait3A_744 : memref<1x256x64xf32, #tpu.memory_space<vmem>> -> memref<256x64xf32, #tpu.memory_space<vmem>>
        %dma_wait3A_746 = arith.constant 0 : i32
        %dma_wait3A_747 = tpu.memref_slice %arg4[%add3A_556, %dma_wait3A_746] : memref<819200x128xf32, #tpu.memory_space<hbm>> -> memref<256x64xf32, #tpu.memory_space<hbm>>
        %dma_wait3A_748 = arith.constant 0 : i32
        %dma_wait3A_749 = tpu.memref_slice %arg4[%add3A_556, %dma_wait3A_748] : memref<819200x128xf32, #tpu.memory_space<hbm>> -> memref<256x64xf32, #tpu.memory_space<hbm>>
        %dma_wait3A_750 = arith.constant 0 : i32
        %dma_wait3A_751 = arith.constant 0 : i32
        %dma_wait3A_752 = tpu.memref_slice %arg6[%run_scoped3A_557, %dma_wait3A_750, %dma_wait3A_751] : memref<5x256x64xf32, #tpu.memory_space<vmem>> -> memref<1x256x64xf32, #tpu.memory_space<vmem>>
        %dma_wait3A_753 = tpu.memref_squeeze %dma_wait3A_752 : memref<1x256x64xf32, #tpu.memory_space<vmem>> -> memref<256x64xf32, #tpu.memory_space<vmem>>
        tpu.wait_dma2 semaphore(%run_scoped3A_729 : memref<!tpu.dma_semaphore, #tpu.memory_space<semaphore_mem>>) src(%dma_wait3A_753 : memref<256x64xf32, #tpu.memory_space<vmem>>) dst(%dma_wait3A_749 : memref<256x64xf32, #tpu.memory_space<hbm>>)
        tpu.yield
      }) : () -> ()
      %add3A_558 = arith.constant 5 : i32
      %add3A_559 = arith.addi %add3A_498, %add3A_558 : i32
      %jit3A_560 = arith.constant 2 : i32
      %div3A_561 = arith.divsi %add3A_559, %jit3A_560 : i32
      %sign3A_562 = arith.constant 0 : i32
      %sign3A_563 = arith.cmpi sgt, %add3A_559, %sign3A_562 : i32
      %sign3A_564 = arith.extui %sign3A_563 : i1 to i32
      %sign3A_565 = arith.constant 0 : i32
      %sign3A_566 = arith.cmpi slt, %add3A_559, %sign3A_565 : i32
      %sign3A_567 = arith.extui %sign3A_566 : i1 to i32
      %sign3A_568 = arith.subi %sign3A_564, %sign3A_567 : i32
      %sign3A_569 = arith.constant 0 : i32
      %sign3A_570 = arith.cmpi sgt, %jit3A_560, %sign3A_569 : i32
      %sign3A_571 = arith.extui %sign3A_570 : i1 to i32
      %sign3A_572 = arith.constant 0 : i32
      %sign3A_573 = arith.cmpi slt, %jit3A_560, %sign3A_572 : i32
      %sign3A_574 = arith.extui %sign3A_573 : i1 to i32
      %sign3A_575 = arith.subi %sign3A_571, %sign3A_574 : i32
      %ne3A_576 = arith.cmpi ne, %sign3A_568, %sign3A_575 : i32
      %rem3A_577 = arith.remsi %add3A_559, %jit3A_560 : i32
      %ne3A_578 = arith.constant 0 : i32
      %ne3A_579 = arith.cmpi ne, %rem3A_577, %ne3A_578 : i32
      %and3A_580 = arith.andi %ne3A_576, %ne3A_579 : i1
      %sub3A_581 = arith.constant 1 : i32
      %sub3A_582 = arith.subi %div3A_561, %sub3A_581 : i32
      %select_n3A_583 = arith.select %and3A_580, %sub3A_582, %div3A_561 : i32
      %jit3A_584 = arith.constant 2 : i32
      %eq3A_585 = arith.constant 0 : i32
      %eq3A_586 = arith.cmpi eq, %jit3A_584, %eq3A_585 : i32
      %jit3A_587 = arith.constant 1 : i32
      %select_n3A_588 = arith.select %eq3A_586, %jit3A_587, %jit3A_584 : i32
      %rem3A_589 = arith.remsi %add3A_559, %select_n3A_588 : i32
      %ne3A_590 = arith.constant 0 : i32
      %ne3A_591 = arith.cmpi ne, %rem3A_589, %ne3A_590 : i32
      %lt3A_592 = arith.constant 0 : i32
      %lt3A_593 = arith.cmpi slt, %rem3A_589, %lt3A_592 : i32
      %lt3A_594 = arith.constant 0 : i32
      %lt3A_595 = arith.cmpi slt, %select_n3A_588, %lt3A_594 : i32
      %ne3A_596 = arith.xori %lt3A_593, %lt3A_595 : i1
      %and3A_597 = arith.andi %ne3A_596, %ne3A_591 : i1
      %add3A_598 = arith.addi %rem3A_589, %select_n3A_588 : i32
      %select_n3A_599 = arith.select %and3A_597, %add3A_598, %rem3A_589 : i32
      %mul3A_600 = arith.constant 256 : i32
      %mul3A_601 = arith.muli %select_n3A_599, %mul3A_600 : i32
      %dma_start3A_602 = arith.constant 3 : i32
      %dma_start3A_603 = arith.constant 0 : i32
      %dma_start3A_604 = arith.constant 0 : i32
      %dma_start3A_605 = tpu.memref_slice %arg6[%dma_start3A_602, %dma_start3A_603, %dma_start3A_604] : memref<5x256x64xf32, #tpu.memory_space<vmem>> -> memref<1x256x64xf32, #tpu.memory_space<vmem>>
      %dma_start3A_606 = tpu.memref_squeeze %dma_start3A_605 : memref<1x256x64xf32, #tpu.memory_space<vmem>> -> memref<256x64xf32, #tpu.memory_space<vmem>>
      %dma_start3A_607 = tpu.memref_slice %arg5[%select_n3A_583, %mul3A_601] : memref<50x512xi32, #tpu.memory_space<vmem>> -> memref<1x256xi32, #tpu.memory_space<vmem>>
      %dma_start3A_608 = tpu.memref_squeeze %dma_start3A_607 : memref<1x256xi32, #tpu.memory_space<vmem>> -> memref<256xi32, #tpu.memory_space<vmem>>
      %dma_start3A_609 = arith.constant 0 : i32
      %dma_start3A_610 = arith.constant 0 : i32
      %dma_start3A_611 = tpu.memref_slice %arg3[%dma_start3A_609, %dma_start3A_610] : memref<2000000x64xf32, #tpu.memory_space<hbm>> -> memref<2000000x64xf32, #tpu.memory_space<hbm>>
      tpu.enqueue_indirect_dma source(%dma_start3A_611 : memref<2000000x64xf32, #tpu.memory_space<hbm>>) target(%dma_start3A_606 : memref<256x64xf32, #tpu.memory_space<vmem>>) offsets(%dma_start3A_608 : memref<256xi32, #tpu.memory_space<vmem>>) semaphore(%arg10 : memref<!tpu.dma_semaphore, #tpu.memory_space<semaphore_mem>>)
      %mul3A_612 = arith.constant 5 : i32
      %mul3A_613 = arith.muli %add3A_153, %mul3A_612 : i32
      %add3A_614 = arith.constant 4 : i32
      %add3A_615 = arith.addi %mul3A_613, %add3A_614 : i32
      %jit3A_616 = arith.constant 2 : i32
      %div3A_617 = arith.divsi %add3A_615, %jit3A_616 : i32
      %sign3A_618 = arith.constant 0 : i32
      %sign3A_619 = arith.cmpi sgt, %add3A_615, %sign3A_618 : i32
      %sign3A_620 = arith.extui %sign3A_619 : i1 to i32
      %sign3A_621 = arith.constant 0 : i32
      %sign3A_622 = arith.cmpi slt, %add3A_615, %sign3A_621 : i32
      %sign3A_623 = arith.extui %sign3A_622 : i1 to i32
      %sign3A_624 = arith.subi %sign3A_620, %sign3A_623 : i32
      %sign3A_625 = arith.constant 0 : i32
      %sign3A_626 = arith.cmpi sgt, %jit3A_616, %sign3A_625 : i32
      %sign3A_627 = arith.extui %sign3A_626 : i1 to i32
      %sign3A_628 = arith.constant 0 : i32
      %sign3A_629 = arith.cmpi slt, %jit3A_616, %sign3A_628 : i32
      %sign3A_630 = arith.extui %sign3A_629 : i1 to i32
      %sign3A_631 = arith.subi %sign3A_627, %sign3A_630 : i32
      %ne3A_632 = arith.cmpi ne, %sign3A_624, %sign3A_631 : i32
      %rem3A_633 = arith.remsi %add3A_615, %jit3A_616 : i32
      %ne3A_634 = arith.constant 0 : i32
      %ne3A_635 = arith.cmpi ne, %rem3A_633, %ne3A_634 : i32
      %and3A_636 = arith.andi %ne3A_632, %ne3A_635 : i1
      %sub3A_637 = arith.constant 1 : i32
      %sub3A_638 = arith.subi %div3A_617, %sub3A_637 : i32
      %select_n3A_639 = arith.select %and3A_636, %sub3A_638, %div3A_617 : i32
      %jit3A_640 = arith.constant 2 : i32
      %eq3A_641 = arith.constant 0 : i32
      %eq3A_642 = arith.cmpi eq, %jit3A_640, %eq3A_641 : i32
      %jit3A_643 = arith.constant 1 : i32
      %select_n3A_644 = arith.select %eq3A_642, %jit3A_643, %jit3A_640 : i32
      %rem3A_645 = arith.remsi %add3A_615, %select_n3A_644 : i32
      %ne3A_646 = arith.constant 0 : i32
      %ne3A_647 = arith.cmpi ne, %rem3A_645, %ne3A_646 : i32
      %lt3A_648 = arith.constant 0 : i32
      %lt3A_649 = arith.cmpi slt, %rem3A_645, %lt3A_648 : i32
      %lt3A_650 = arith.constant 0 : i32
      %lt3A_651 = arith.cmpi slt, %select_n3A_644, %lt3A_650 : i32
      %ne3A_652 = arith.xori %lt3A_649, %lt3A_651 : i1
      %and3A_653 = arith.andi %ne3A_652, %ne3A_647 : i1
      %add3A_654 = arith.addi %rem3A_645, %select_n3A_644 : i32
      %select_n3A_655 = arith.select %and3A_653, %add3A_654, %rem3A_645 : i32
      %mul3A_656 = arith.constant 256 : i32
      %mul3A_657 = arith.muli %select_n3A_655, %mul3A_656 : i32
      %dma_wait3A_658 = arith.constant 4 : i32
      %dma_wait3A_659 = arith.constant 0 : i32
      %dma_wait3A_660 = arith.constant 0 : i32
      %dma_wait3A_661 = tpu.memref_slice %arg6[%dma_wait3A_658, %dma_wait3A_659, %dma_wait3A_660] : memref<5x256x64xf32, #tpu.memory_space<vmem>> -> memref<1x256x64xf32, #tpu.memory_space<vmem>>
      %dma_wait3A_662 = tpu.memref_squeeze %dma_wait3A_661 : memref<1x256x64xf32, #tpu.memory_space<vmem>> -> memref<256x64xf32, #tpu.memory_space<vmem>>
      %dma_wait3A_663 = tpu.memref_slice %arg5[%select_n3A_639, %mul3A_657] : memref<50x512xi32, #tpu.memory_space<vmem>> -> memref<1x256xi32, #tpu.memory_space<vmem>>
      %dma_wait3A_664 = tpu.memref_squeeze %dma_wait3A_663 : memref<1x256xi32, #tpu.memory_space<vmem>> -> memref<256xi32, #tpu.memory_space<vmem>>
      %dma_wait3A_665 = arith.constant 0 : i32
      %dma_wait3A_666 = arith.constant 0 : i32
      %dma_wait3A_667 = tpu.memref_slice %arg3[%dma_wait3A_665, %dma_wait3A_666] : memref<2000000x64xf32, #tpu.memory_space<hbm>> -> memref<2000000x64xf32, #tpu.memory_space<hbm>>
      tpu.wait_indirect_dma semaphore(%arg11 : memref<!tpu.dma_semaphore, #tpu.memory_space<semaphore_mem>>) src(%dma_wait3A_667 : memref<2000000x64xf32, #tpu.memory_space<hbm>>) dst(%dma_wait3A_662 : memref<256x64xf32, #tpu.memory_space<vmem>>)
      %mul3A_668 = arith.constant 16384 : i32
      %mul3A_669 = arith.muli %select_n3A_639, %mul3A_668 : i32
      %add3A_670 = arith.addi %mul3A_669, %mul3A_2 : i32
      %mul3A_671 = arith.constant 256 : i32
      %mul3A_672 = arith.muli %select_n3A_655, %mul3A_671 : i32
      %add3A_673 = arith.addi %add3A_670, %mul3A_672 : i32
      %run_scoped3A_674 = arith.constant 4 : i32
      "tpu.region"() ({
        %run_scoped3A_729 = tpu.sem_alloc : memref<!tpu.dma_semaphore, #tpu.memory_space<semaphore_mem>>
        %dma_start3A_730 = arith.constant 0 : i32
        %dma_start3A_731 = arith.constant 0 : i32
        %dma_start3A_732 = tpu.memref_slice %arg6[%run_scoped3A_674, %dma_start3A_730, %dma_start3A_731] : memref<5x256x64xf32, #tpu.memory_space<vmem>> -> memref<1x256x64xf32, #tpu.memory_space<vmem>>
        %dma_start3A_733 = tpu.memref_squeeze %dma_start3A_732 : memref<1x256x64xf32, #tpu.memory_space<vmem>> -> memref<256x64xf32, #tpu.memory_space<vmem>>
        %dma_start3A_734 = arith.constant 0 : i32
        %dma_start3A_735 = tpu.memref_slice %arg4[%add3A_673, %dma_start3A_734] : memref<819200x128xf32, #tpu.memory_space<hbm>> -> memref<256x64xf32, #tpu.memory_space<hbm>>
        %dma_start3A_736 = arith.constant 0 : i32
        %dma_start3A_737 = tpu.memref_slice %arg4[%add3A_673, %dma_start3A_736] : memref<819200x128xf32, #tpu.memory_space<hbm>> -> memref<256x64xf32, #tpu.memory_space<hbm>>
        %dma_start3A_738 = arith.constant 0 : i32
        %dma_start3A_739 = arith.constant 0 : i32
        %dma_start3A_740 = tpu.memref_slice %arg6[%run_scoped3A_674, %dma_start3A_738, %dma_start3A_739] : memref<5x256x64xf32, #tpu.memory_space<vmem>> -> memref<1x256x64xf32, #tpu.memory_space<vmem>>
        %dma_start3A_741 = tpu.memref_squeeze %dma_start3A_740 : memref<1x256x64xf32, #tpu.memory_space<vmem>> -> memref<256x64xf32, #tpu.memory_space<vmem>>
        tpu.enqueue_dma source(%dma_start3A_741 : memref<256x64xf32, #tpu.memory_space<vmem>>) target(%dma_start3A_737 : memref<256x64xf32, #tpu.memory_space<hbm>>) target_semaphore(%run_scoped3A_729 : memref<!tpu.dma_semaphore, #tpu.memory_space<semaphore_mem>>)
        %dma_wait3A_742 = arith.constant 0 : i32
        %dma_wait3A_743 = arith.constant 0 : i32
        %dma_wait3A_744 = tpu.memref_slice %arg6[%run_scoped3A_674, %dma_wait3A_742, %dma_wait3A_743] : memref<5x256x64xf32, #tpu.memory_space<vmem>> -> memref<1x256x64xf32, #tpu.memory_space<vmem>>
        %dma_wait3A_745 = tpu.memref_squeeze %dma_wait3A_744 : memref<1x256x64xf32, #tpu.memory_space<vmem>> -> memref<256x64xf32, #tpu.memory_space<vmem>>
        %dma_wait3A_746 = arith.constant 0 : i32
        %dma_wait3A_747 = tpu.memref_slice %arg4[%add3A_673, %dma_wait3A_746] : memref<819200x128xf32, #tpu.memory_space<hbm>> -> memref<256x64xf32, #tpu.memory_space<hbm>>
        %dma_wait3A_748 = arith.constant 0 : i32
        %dma_wait3A_749 = tpu.memref_slice %arg4[%add3A_673, %dma_wait3A_748] : memref<819200x128xf32, #tpu.memory_space<hbm>> -> memref<256x64xf32, #tpu.memory_space<hbm>>
        %dma_wait3A_750 = arith.constant 0 : i32
        %dma_wait3A_751 = arith.constant 0 : i32
        %dma_wait3A_752 = tpu.memref_slice %arg6[%run_scoped3A_674, %dma_wait3A_750, %dma_wait3A_751] : memref<5x256x64xf32, #tpu.memory_space<vmem>> -> memref<1x256x64xf32, #tpu.memory_space<vmem>>
        %dma_wait3A_753 = tpu.memref_squeeze %dma_wait3A_752 : memref<1x256x64xf32, #tpu.memory_space<vmem>> -> memref<256x64xf32, #tpu.memory_space<vmem>>
        tpu.wait_dma2 semaphore(%run_scoped3A_729 : memref<!tpu.dma_semaphore, #tpu.memory_space<semaphore_mem>>) src(%dma_wait3A_753 : memref<256x64xf32, #tpu.memory_space<vmem>>) dst(%dma_wait3A_749 : memref<256x64xf32, #tpu.memory_space<hbm>>)
        tpu.yield
      }) : () -> ()
      %add3A_675 = arith.constant 5 : i32
      %add3A_676 = arith.addi %add3A_615, %add3A_675 : i32
      %jit3A_677 = arith.constant 2 : i32
      %div3A_678 = arith.divsi %add3A_676, %jit3A_677 : i32
      %sign3A_679 = arith.constant 0 : i32
      %sign3A_680 = arith.cmpi sgt, %add3A_676, %sign3A_679 : i32
      %sign3A_681 = arith.extui %sign3A_680 : i1 to i32
      %sign3A_682 = arith.constant 0 : i32
      %sign3A_683 = arith.cmpi slt, %add3A_676, %sign3A_682 : i32
      %sign3A_684 = arith.extui %sign3A_683 : i1 to i32
      %sign3A_685 = arith.subi %sign3A_681, %sign3A_684 : i32
      %sign3A_686 = arith.constant 0 : i32
      %sign3A_687 = arith.cmpi sgt, %jit3A_677, %sign3A_686 : i32
      %sign3A_688 = arith.extui %sign3A_687 : i1 to i32
      %sign3A_689 = arith.constant 0 : i32
      %sign3A_690 = arith.cmpi slt, %jit3A_677, %sign3A_689 : i32
      %sign3A_691 = arith.extui %sign3A_690 : i1 to i32
      %sign3A_692 = arith.subi %sign3A_688, %sign3A_691 : i32
      %ne3A_693 = arith.cmpi ne, %sign3A_685, %sign3A_692 : i32
      %rem3A_694 = arith.remsi %add3A_676, %jit3A_677 : i32
      %ne3A_695 = arith.constant 0 : i32
      %ne3A_696 = arith.cmpi ne, %rem3A_694, %ne3A_695 : i32
      %and3A_697 = arith.andi %ne3A_693, %ne3A_696 : i1
      %sub3A_698 = arith.constant 1 : i32
      %sub3A_699 = arith.subi %div3A_678, %sub3A_698 : i32
      %select_n3A_700 = arith.select %and3A_697, %sub3A_699, %div3A_678 : i32
      %jit3A_701 = arith.constant 2 : i32
      %eq3A_702 = arith.constant 0 : i32
      %eq3A_703 = arith.cmpi eq, %jit3A_701, %eq3A_702 : i32
      %jit3A_704 = arith.constant 1 : i32
      %select_n3A_705 = arith.select %eq3A_703, %jit3A_704, %jit3A_701 : i32
      %rem3A_706 = arith.remsi %add3A_676, %select_n3A_705 : i32
      %ne3A_707 = arith.constant 0 : i32
      %ne3A_708 = arith.cmpi ne, %rem3A_706, %ne3A_707 : i32
      %lt3A_709 = arith.constant 0 : i32
      %lt3A_710 = arith.cmpi slt, %rem3A_706, %lt3A_709 : i32
      %lt3A_711 = arith.constant 0 : i32
      %lt3A_712 = arith.cmpi slt, %select_n3A_705, %lt3A_711 : i32
      %ne3A_713 = arith.xori %lt3A_710, %lt3A_712 : i1
      %and3A_714 = arith.andi %ne3A_713, %ne3A_708 : i1
      %add3A_715 = arith.addi %rem3A_706, %select_n3A_705 : i32
      %select_n3A_716 = arith.select %and3A_714, %add3A_715, %rem3A_706 : i32
      %mul3A_717 = arith.constant 256 : i32
      %mul3A_718 = arith.muli %select_n3A_716, %mul3A_717 : i32
      %dma_start3A_719 = arith.constant 4 : i32
      %dma_start3A_720 = arith.constant 0 : i32
      %dma_start3A_721 = arith.constant 0 : i32
      %dma_start3A_722 = tpu.memref_slice %arg6[%dma_start3A_719, %dma_start3A_720, %dma_start3A_721] : memref<5x256x64xf32, #tpu.memory_space<vmem>> -> memref<1x256x64xf32, #tpu.memory_space<vmem>>
      %dma_start3A_723 = tpu.memref_squeeze %dma_start3A_722 : memref<1x256x64xf32, #tpu.memory_space<vmem>> -> memref<256x64xf32, #tpu.memory_space<vmem>>
      %dma_start3A_724 = tpu.memref_slice %arg5[%select_n3A_700, %mul3A_718] : memref<50x512xi32, #tpu.memory_space<vmem>> -> memref<1x256xi32, #tpu.memory_space<vmem>>
      %dma_start3A_725 = tpu.memref_squeeze %dma_start3A_724 : memref<1x256xi32, #tpu.memory_space<vmem>> -> memref<256xi32, #tpu.memory_space<vmem>>
      %dma_start3A_726 = arith.constant 0 : i32
      %dma_start3A_727 = arith.constant 0 : i32
      %dma_start3A_728 = tpu.memref_slice %arg3[%dma_start3A_726, %dma_start3A_727] : memref<2000000x64xf32, #tpu.memory_space<hbm>> -> memref<2000000x64xf32, #tpu.memory_space<hbm>>
      tpu.enqueue_indirect_dma source(%dma_start3A_728 : memref<2000000x64xf32, #tpu.memory_space<hbm>>) target(%dma_start3A_723 : memref<256x64xf32, #tpu.memory_space<vmem>>) offsets(%dma_start3A_725 : memref<256xi32, #tpu.memory_space<vmem>>) semaphore(%arg11 : memref<!tpu.dma_semaphore, #tpu.memory_space<semaphore_mem>>)
    }
    %scan3A_65 = arith.constant 19 : i32
    %dma_wait3A = arith.constant 47 : i32
    %dma_wait3A_66 = arith.constant 0 : i32
    %dma_wait3A_67 = arith.constant 0 : i32
    %dma_wait3A_68 = arith.constant 0 : i32
    %dma_wait3A_69 = tpu.memref_slice %arg6[%dma_wait3A_66, %dma_wait3A_67, %dma_wait3A_68] : memref<5x256x64xf32, #tpu.memory_space<vmem>> -> memref<1x256x64xf32, #tpu.memory_space<vmem>>
    %dma_wait3A_70 = tpu.memref_squeeze %dma_wait3A_69 : memref<1x256x64xf32, #tpu.memory_space<vmem>> -> memref<256x64xf32, #tpu.memory_space<vmem>>
    %dma_wait3A_71 = arith.constant 256 : i32
    %dma_wait3A_72 = tpu.memref_slice %arg5[%dma_wait3A, %dma_wait3A_71] : memref<50x512xi32, #tpu.memory_space<vmem>> -> memref<1x256xi32, #tpu.memory_space<vmem>>
    %dma_wait3A_73 = tpu.memref_squeeze %dma_wait3A_72 : memref<1x256xi32, #tpu.memory_space<vmem>> -> memref<256xi32, #tpu.memory_space<vmem>>
    %dma_wait3A_74 = arith.constant 0 : i32
    %dma_wait3A_75 = arith.constant 0 : i32
    %dma_wait3A_76 = tpu.memref_slice %arg3[%dma_wait3A_74, %dma_wait3A_75] : memref<2000000x64xf32, #tpu.memory_space<hbm>> -> memref<2000000x64xf32, #tpu.memory_space<hbm>>
    tpu.wait_indirect_dma semaphore(%arg7 : memref<!tpu.dma_semaphore, #tpu.memory_space<semaphore_mem>>) src(%dma_wait3A_76 : memref<2000000x64xf32, #tpu.memory_space<hbm>>) dst(%dma_wait3A_70 : memref<256x64xf32, #tpu.memory_space<vmem>>)
    %add3A_77 = arith.constant 770048 : i32
    %add3A_78 = arith.addi %add3A_77, %mul3A_2 : i32
    %add3A_79 = arith.constant 256 : i32
    %add3A_80 = arith.addi %add3A_78, %add3A_79 : i32
    %run_scoped3A = arith.constant 0 : i32
    "tpu.region"() ({
      %run_scoped3A_149 = tpu.sem_alloc : memref<!tpu.dma_semaphore, #tpu.memory_space<semaphore_mem>>
      %dma_start3A_150 = arith.constant 0 : i32
      %dma_start3A_151 = arith.constant 0 : i32
      %dma_start3A_152 = tpu.memref_slice %arg6[%run_scoped3A, %dma_start3A_150, %dma_start3A_151] : memref<5x256x64xf32, #tpu.memory_space<vmem>> -> memref<1x256x64xf32, #tpu.memory_space<vmem>>
      %dma_start3A_153 = tpu.memref_squeeze %dma_start3A_152 : memref<1x256x64xf32, #tpu.memory_space<vmem>> -> memref<256x64xf32, #tpu.memory_space<vmem>>
      %dma_start3A_154 = arith.constant 0 : i32
      %dma_start3A_155 = tpu.memref_slice %arg4[%add3A_80, %dma_start3A_154] : memref<819200x128xf32, #tpu.memory_space<hbm>> -> memref<256x64xf32, #tpu.memory_space<hbm>>
      %dma_start3A_156 = arith.constant 0 : i32
      %dma_start3A_157 = tpu.memref_slice %arg4[%add3A_80, %dma_start3A_156] : memref<819200x128xf32, #tpu.memory_space<hbm>> -> memref<256x64xf32, #tpu.memory_space<hbm>>
      %dma_start3A_158 = arith.constant 0 : i32
      %dma_start3A_159 = arith.constant 0 : i32
      %dma_start3A_160 = tpu.memref_slice %arg6[%run_scoped3A, %dma_start3A_158, %dma_start3A_159] : memref<5x256x64xf32, #tpu.memory_space<vmem>> -> memref<1x256x64xf32, #tpu.memory_space<vmem>>
      %dma_start3A_161 = tpu.memref_squeeze %dma_start3A_160 : memref<1x256x64xf32, #tpu.memory_space<vmem>> -> memref<256x64xf32, #tpu.memory_space<vmem>>
      tpu.enqueue_dma source(%dma_start3A_161 : memref<256x64xf32, #tpu.memory_space<vmem>>) target(%dma_start3A_157 : memref<256x64xf32, #tpu.memory_space<hbm>>) target_semaphore(%run_scoped3A_149 : memref<!tpu.dma_semaphore, #tpu.memory_space<semaphore_mem>>)
      %dma_wait3A_162 = arith.constant 0 : i32
      %dma_wait3A_163 = arith.constant 0 : i32
      %dma_wait3A_164 = tpu.memref_slice %arg6[%run_scoped3A, %dma_wait3A_162, %dma_wait3A_163] : memref<5x256x64xf32, #tpu.memory_space<vmem>> -> memref<1x256x64xf32, #tpu.memory_space<vmem>>
      %dma_wait3A_165 = tpu.memref_squeeze %dma_wait3A_164 : memref<1x256x64xf32, #tpu.memory_space<vmem>> -> memref<256x64xf32, #tpu.memory_space<vmem>>
      %dma_wait3A_166 = arith.constant 0 : i32
      %dma_wait3A_167 = tpu.memref_slice %arg4[%add3A_80, %dma_wait3A_166] : memref<819200x128xf32, #tpu.memory_space<hbm>> -> memref<256x64xf32, #tpu.memory_space<hbm>>
      %dma_wait3A_168 = arith.constant 0 : i32
      %dma_wait3A_169 = tpu.memref_slice %arg4[%add3A_80, %dma_wait3A_168] : memref<819200x128xf32, #tpu.memory_space<hbm>> -> memref<256x64xf32, #tpu.memory_space<hbm>>
      %dma_wait3A_170 = arith.constant 0 : i32
      %dma_wait3A_171 = arith.constant 0 : i32
      %dma_wait3A_172 = tpu.memref_slice %arg6[%run_scoped3A, %dma_wait3A_170, %dma_wait3A_171] : memref<5x256x64xf32, #tpu.memory_space<vmem>> -> memref<1x256x64xf32, #tpu.memory_space<vmem>>
      %dma_wait3A_173 = tpu.memref_squeeze %dma_wait3A_172 : memref<1x256x64xf32, #tpu.memory_space<vmem>> -> memref<256x64xf32, #tpu.memory_space<vmem>>
      tpu.wait_dma2 semaphore(%run_scoped3A_149 : memref<!tpu.dma_semaphore, #tpu.memory_space<semaphore_mem>>) src(%dma_wait3A_173 : memref<256x64xf32, #tpu.memory_space<vmem>>) dst(%dma_wait3A_169 : memref<256x64xf32, #tpu.memory_space<hbm>>)
      tpu.yield
    }) : () -> ()
    %dma_wait3A_81 = arith.constant 48 : i32
    %dma_wait3A_82 = arith.constant 1 : i32
    %dma_wait3A_83 = arith.constant 0 : i32
    %dma_wait3A_84 = arith.constant 0 : i32
    %dma_wait3A_85 = tpu.memref_slice %arg6[%dma_wait3A_82, %dma_wait3A_83, %dma_wait3A_84] : memref<5x256x64xf32, #tpu.memory_space<vmem>> -> memref<1x256x64xf32, #tpu.memory_space<vmem>>
    %dma_wait3A_86 = tpu.memref_squeeze %dma_wait3A_85 : memref<1x256x64xf32, #tpu.memory_space<vmem>> -> memref<256x64xf32, #tpu.memory_space<vmem>>
    %dma_wait3A_87 = arith.constant 0 : i32
    %dma_wait3A_88 = tpu.memref_slice %arg5[%dma_wait3A_81, %dma_wait3A_87] : memref<50x512xi32, #tpu.memory_space<vmem>> -> memref<1x256xi32, #tpu.memory_space<vmem>>
    %dma_wait3A_89 = tpu.memref_squeeze %dma_wait3A_88 : memref<1x256xi32, #tpu.memory_space<vmem>> -> memref<256xi32, #tpu.memory_space<vmem>>
    %dma_wait3A_90 = arith.constant 0 : i32
    %dma_wait3A_91 = arith.constant 0 : i32
    %dma_wait3A_92 = tpu.memref_slice %arg3[%dma_wait3A_90, %dma_wait3A_91] : memref<2000000x64xf32, #tpu.memory_space<hbm>> -> memref<2000000x64xf32, #tpu.memory_space<hbm>>
    tpu.wait_indirect_dma semaphore(%arg8 : memref<!tpu.dma_semaphore, #tpu.memory_space<semaphore_mem>>) src(%dma_wait3A_92 : memref<2000000x64xf32, #tpu.memory_space<hbm>>) dst(%dma_wait3A_86 : memref<256x64xf32, #tpu.memory_space<vmem>>)
    %add3A_93 = arith.constant 786432 : i32
    %add3A_94 = arith.addi %add3A_93, %mul3A_2 : i32
    %add3A_95 = arith.constant 0 : i32
    %add3A_96 = arith.addi %add3A_94, %add3A_95 : i32
    %run_scoped3A_97 = arith.constant 1 : i32
    "tpu.region"() ({
      %run_scoped3A_149 = tpu.sem_alloc : memref<!tpu.dma_semaphore, #tpu.memory_space<semaphore_mem>>
      %dma_start3A_150 = arith.constant 0 : i32
      %dma_start3A_151 = arith.constant 0 : i32
      %dma_start3A_152 = tpu.memref_slice %arg6[%run_scoped3A_97, %dma_start3A_150, %dma_start3A_151] : memref<5x256x64xf32, #tpu.memory_space<vmem>> -> memref<1x256x64xf32, #tpu.memory_space<vmem>>
      %dma_start3A_153 = tpu.memref_squeeze %dma_start3A_152 : memref<1x256x64xf32, #tpu.memory_space<vmem>> -> memref<256x64xf32, #tpu.memory_space<vmem>>
      %dma_start3A_154 = arith.constant 0 : i32
      %dma_start3A_155 = tpu.memref_slice %arg4[%add3A_96, %dma_start3A_154] : memref<819200x128xf32, #tpu.memory_space<hbm>> -> memref<256x64xf32, #tpu.memory_space<hbm>>
      %dma_start3A_156 = arith.constant 0 : i32
      %dma_start3A_157 = tpu.memref_slice %arg4[%add3A_96, %dma_start3A_156] : memref<819200x128xf32, #tpu.memory_space<hbm>> -> memref<256x64xf32, #tpu.memory_space<hbm>>
      %dma_start3A_158 = arith.constant 0 : i32
      %dma_start3A_159 = arith.constant 0 : i32
      %dma_start3A_160 = tpu.memref_slice %arg6[%run_scoped3A_97, %dma_start3A_158, %dma_start3A_159] : memref<5x256x64xf32, #tpu.memory_space<vmem>> -> memref<1x256x64xf32, #tpu.memory_space<vmem>>
      %dma_start3A_161 = tpu.memref_squeeze %dma_start3A_160 : memref<1x256x64xf32, #tpu.memory_space<vmem>> -> memref<256x64xf32, #tpu.memory_space<vmem>>
      tpu.enqueue_dma source(%dma_start3A_161 : memref<256x64xf32, #tpu.memory_space<vmem>>) target(%dma_start3A_157 : memref<256x64xf32, #tpu.memory_space<hbm>>) target_semaphore(%run_scoped3A_149 : memref<!tpu.dma_semaphore, #tpu.memory_space<semaphore_mem>>)
      %dma_wait3A_162 = arith.constant 0 : i32
      %dma_wait3A_163 = arith.constant 0 : i32
      %dma_wait3A_164 = tpu.memref_slice %arg6[%run_scoped3A_97, %dma_wait3A_162, %dma_wait3A_163] : memref<5x256x64xf32, #tpu.memory_space<vmem>> -> memref<1x256x64xf32, #tpu.memory_space<vmem>>
      %dma_wait3A_165 = tpu.memref_squeeze %dma_wait3A_164 : memref<1x256x64xf32, #tpu.memory_space<vmem>> -> memref<256x64xf32, #tpu.memory_space<vmem>>
      %dma_wait3A_166 = arith.constant 0 : i32
      %dma_wait3A_167 = tpu.memref_slice %arg4[%add3A_96, %dma_wait3A_166] : memref<819200x128xf32, #tpu.memory_space<hbm>> -> memref<256x64xf32, #tpu.memory_space<hbm>>
      %dma_wait3A_168 = arith.constant 0 : i32
      %dma_wait3A_169 = tpu.memref_slice %arg4[%add3A_96, %dma_wait3A_168] : memref<819200x128xf32, #tpu.memory_space<hbm>> -> memref<256x64xf32, #tpu.memory_space<hbm>>
      %dma_wait3A_170 = arith.constant 0 : i32
      %dma_wait3A_171 = arith.constant 0 : i32
      %dma_wait3A_172 = tpu.memref_slice %arg6[%run_scoped3A_97, %dma_wait3A_170, %dma_wait3A_171] : memref<5x256x64xf32, #tpu.memory_space<vmem>> -> memref<1x256x64xf32, #tpu.memory_space<vmem>>
      %dma_wait3A_173 = tpu.memref_squeeze %dma_wait3A_172 : memref<1x256x64xf32, #tpu.memory_space<vmem>> -> memref<256x64xf32, #tpu.memory_space<vmem>>
      tpu.wait_dma2 semaphore(%run_scoped3A_149 : memref<!tpu.dma_semaphore, #tpu.memory_space<semaphore_mem>>) src(%dma_wait3A_173 : memref<256x64xf32, #tpu.memory_space<vmem>>) dst(%dma_wait3A_169 : memref<256x64xf32, #tpu.memory_space<hbm>>)
      tpu.yield
    }) : () -> ()
    %dma_wait3A_98 = arith.constant 48 : i32
    %dma_wait3A_99 = arith.constant 2 : i32
    %dma_wait3A_100 = arith.constant 0 : i32
    %dma_wait3A_101 = arith.constant 0 : i32
    %dma_wait3A_102 = tpu.memref_slice %arg6[%dma_wait3A_99, %dma_wait3A_100, %dma_wait3A_101] : memref<5x256x64xf32, #tpu.memory_space<vmem>> -> memref<1x256x64xf32, #tpu.memory_space<vmem>>
    %dma_wait3A_103 = tpu.memref_squeeze %dma_wait3A_102 : memref<1x256x64xf32, #tpu.memory_space<vmem>> -> memref<256x64xf32, #tpu.memory_space<vmem>>
    %dma_wait3A_104 = arith.constant 256 : i32
    %dma_wait3A_105 = tpu.memref_slice %arg5[%dma_wait3A_98, %dma_wait3A_104] : memref<50x512xi32, #tpu.memory_space<vmem>> -> memref<1x256xi32, #tpu.memory_space<vmem>>
    %dma_wait3A_106 = tpu.memref_squeeze %dma_wait3A_105 : memref<1x256xi32, #tpu.memory_space<vmem>> -> memref<256xi32, #tpu.memory_space<vmem>>
    %dma_wait3A_107 = arith.constant 0 : i32
    %dma_wait3A_108 = arith.constant 0 : i32
    %dma_wait3A_109 = tpu.memref_slice %arg3[%dma_wait3A_107, %dma_wait3A_108] : memref<2000000x64xf32, #tpu.memory_space<hbm>> -> memref<2000000x64xf32, #tpu.memory_space<hbm>>
    tpu.wait_indirect_dma semaphore(%arg9 : memref<!tpu.dma_semaphore, #tpu.memory_space<semaphore_mem>>) src(%dma_wait3A_109 : memref<2000000x64xf32, #tpu.memory_space<hbm>>) dst(%dma_wait3A_103 : memref<256x64xf32, #tpu.memory_space<vmem>>)
    %add3A_110 = arith.constant 786432 : i32
    %add3A_111 = arith.addi %add3A_110, %mul3A_2 : i32
    %add3A_112 = arith.constant 256 : i32
    %add3A_113 = arith.addi %add3A_111, %add3A_112 : i32
    %run_scoped3A_114 = arith.constant 2 : i32
    "tpu.region"() ({
      %run_scoped3A_149 = tpu.sem_alloc : memref<!tpu.dma_semaphore, #tpu.memory_space<semaphore_mem>>
      %dma_start3A_150 = arith.constant 0 : i32
      %dma_start3A_151 = arith.constant 0 : i32
      %dma_start3A_152 = tpu.memref_slice %arg6[%run_scoped3A_114, %dma_start3A_150, %dma_start3A_151] : memref<5x256x64xf32, #tpu.memory_space<vmem>> -> memref<1x256x64xf32, #tpu.memory_space<vmem>>
      %dma_start3A_153 = tpu.memref_squeeze %dma_start3A_152 : memref<1x256x64xf32, #tpu.memory_space<vmem>> -> memref<256x64xf32, #tpu.memory_space<vmem>>
      %dma_start3A_154 = arith.constant 0 : i32
      %dma_start3A_155 = tpu.memref_slice %arg4[%add3A_113, %dma_start3A_154] : memref<819200x128xf32, #tpu.memory_space<hbm>> -> memref<256x64xf32, #tpu.memory_space<hbm>>
      %dma_start3A_156 = arith.constant 0 : i32
      %dma_start3A_157 = tpu.memref_slice %arg4[%add3A_113, %dma_start3A_156] : memref<819200x128xf32, #tpu.memory_space<hbm>> -> memref<256x64xf32, #tpu.memory_space<hbm>>
      %dma_start3A_158 = arith.constant 0 : i32
      %dma_start3A_159 = arith.constant 0 : i32
      %dma_start3A_160 = tpu.memref_slice %arg6[%run_scoped3A_114, %dma_start3A_158, %dma_start3A_159] : memref<5x256x64xf32, #tpu.memory_space<vmem>> -> memref<1x256x64xf32, #tpu.memory_space<vmem>>
      %dma_start3A_161 = tpu.memref_squeeze %dma_start3A_160 : memref<1x256x64xf32, #tpu.memory_space<vmem>> -> memref<256x64xf32, #tpu.memory_space<vmem>>
      tpu.enqueue_dma source(%dma_start3A_161 : memref<256x64xf32, #tpu.memory_space<vmem>>) target(%dma_start3A_157 : memref<256x64xf32, #tpu.memory_space<hbm>>) target_semaphore(%run_scoped3A_149 : memref<!tpu.dma_semaphore, #tpu.memory_space<semaphore_mem>>)
      %dma_wait3A_162 = arith.constant 0 : i32
      %dma_wait3A_163 = arith.constant 0 : i32
      %dma_wait3A_164 = tpu.memref_slice %arg6[%run_scoped3A_114, %dma_wait3A_162, %dma_wait3A_163] : memref<5x256x64xf32, #tpu.memory_space<vmem>> -> memref<1x256x64xf32, #tpu.memory_space<vmem>>
      %dma_wait3A_165 = tpu.memref_squeeze %dma_wait3A_164 : memref<1x256x64xf32, #tpu.memory_space<vmem>> -> memref<256x64xf32, #tpu.memory_space<vmem>>
      %dma_wait3A_166 = arith.constant 0 : i32
      %dma_wait3A_167 = tpu.memref_slice %arg4[%add3A_113, %dma_wait3A_166] : memref<819200x128xf32, #tpu.memory_space<hbm>> -> memref<256x64xf32, #tpu.memory_space<hbm>>
      %dma_wait3A_168 = arith.constant 0 : i32
      %dma_wait3A_169 = tpu.memref_slice %arg4[%add3A_113, %dma_wait3A_168] : memref<819200x128xf32, #tpu.memory_space<hbm>> -> memref<256x64xf32, #tpu.memory_space<hbm>>
      %dma_wait3A_170 = arith.constant 0 : i32
      %dma_wait3A_171 = arith.constant 0 : i32
      %dma_wait3A_172 = tpu.memref_slice %arg6[%run_scoped3A_114, %dma_wait3A_170, %dma_wait3A_171] : memref<5x256x64xf32, #tpu.memory_space<vmem>> -> memref<1x256x64xf32, #tpu.memory_space<vmem>>
      %dma_wait3A_173 = tpu.memref_squeeze %dma_wait3A_172 : memref<1x256x64xf32, #tpu.memory_space<vmem>> -> memref<256x64xf32, #tpu.memory_space<vmem>>
      tpu.wait_dma2 semaphore(%run_scoped3A_149 : memref<!tpu.dma_semaphore, #tpu.memory_space<semaphore_mem>>) src(%dma_wait3A_173 : memref<256x64xf32, #tpu.memory_space<vmem>>) dst(%dma_wait3A_169 : memref<256x64xf32, #tpu.memory_space<hbm>>)
      tpu.yield
    }) : () -> ()
    %dma_wait3A_115 = arith.constant 49 : i32
    %dma_wait3A_116 = arith.constant 3 : i32
    %dma_wait3A_117 = arith.constant 0 : i32
    %dma_wait3A_118 = arith.constant 0 : i32
    %dma_wait3A_119 = tpu.memref_slice %arg6[%dma_wait3A_116, %dma_wait3A_117, %dma_wait3A_118] : memref<5x256x64xf32, #tpu.memory_space<vmem>> -> memref<1x256x64xf32, #tpu.memory_space<vmem>>
    %dma_wait3A_120 = tpu.memref_squeeze %dma_wait3A_119 : memref<1x256x64xf32, #tpu.memory_space<vmem>> -> memref<256x64xf32, #tpu.memory_space<vmem>>
    %dma_wait3A_121 = arith.constant 0 : i32
    %dma_wait3A_122 = tpu.memref_slice %arg5[%dma_wait3A_115, %dma_wait3A_121] : memref<50x512xi32, #tpu.memory_space<vmem>> -> memref<1x256xi32, #tpu.memory_space<vmem>>
    %dma_wait3A_123 = tpu.memref_squeeze %dma_wait3A_122 : memref<1x256xi32, #tpu.memory_space<vmem>> -> memref<256xi32, #tpu.memory_space<vmem>>
    %dma_wait3A_124 = arith.constant 0 : i32
    %dma_wait3A_125 = arith.constant 0 : i32
    %dma_wait3A_126 = tpu.memref_slice %arg3[%dma_wait3A_124, %dma_wait3A_125] : memref<2000000x64xf32, #tpu.memory_space<hbm>> -> memref<2000000x64xf32, #tpu.memory_space<hbm>>
    tpu.wait_indirect_dma semaphore(%arg10 : memref<!tpu.dma_semaphore, #tpu.memory_space<semaphore_mem>>) src(%dma_wait3A_126 : memref<2000000x64xf32, #tpu.memory_space<hbm>>) dst(%dma_wait3A_120 : memref<256x64xf32, #tpu.memory_space<vmem>>)
    %add3A_127 = arith.constant 802816 : i32
    %add3A_128 = arith.addi %add3A_127, %mul3A_2 : i32
    %add3A_129 = arith.constant 0 : i32
    %add3A_130 = arith.addi %add3A_128, %add3A_129 : i32
    %run_scoped3A_131 = arith.constant 3 : i32
    "tpu.region"() ({
      %run_scoped3A_149 = tpu.sem_alloc : memref<!tpu.dma_semaphore, #tpu.memory_space<semaphore_mem>>
      %dma_start3A_150 = arith.constant 0 : i32
      %dma_start3A_151 = arith.constant 0 : i32
      %dma_start3A_152 = tpu.memref_slice %arg6[%run_scoped3A_131, %dma_start3A_150, %dma_start3A_151] : memref<5x256x64xf32, #tpu.memory_space<vmem>> -> memref<1x256x64xf32, #tpu.memory_space<vmem>>
      %dma_start3A_153 = tpu.memref_squeeze %dma_start3A_152 : memref<1x256x64xf32, #tpu.memory_space<vmem>> -> memref<256x64xf32, #tpu.memory_space<vmem>>
      %dma_start3A_154 = arith.constant 0 : i32
      %dma_start3A_155 = tpu.memref_slice %arg4[%add3A_130, %dma_start3A_154] : memref<819200x128xf32, #tpu.memory_space<hbm>> -> memref<256x64xf32, #tpu.memory_space<hbm>>
      %dma_start3A_156 = arith.constant 0 : i32
      %dma_start3A_157 = tpu.memref_slice %arg4[%add3A_130, %dma_start3A_156] : memref<819200x128xf32, #tpu.memory_space<hbm>> -> memref<256x64xf32, #tpu.memory_space<hbm>>
      %dma_start3A_158 = arith.constant 0 : i32
      %dma_start3A_159 = arith.constant 0 : i32
      %dma_start3A_160 = tpu.memref_slice %arg6[%run_scoped3A_131, %dma_start3A_158, %dma_start3A_159] : memref<5x256x64xf32, #tpu.memory_space<vmem>> -> memref<1x256x64xf32, #tpu.memory_space<vmem>>
      %dma_start3A_161 = tpu.memref_squeeze %dma_start3A_160 : memref<1x256x64xf32, #tpu.memory_space<vmem>> -> memref<256x64xf32, #tpu.memory_space<vmem>>
      tpu.enqueue_dma source(%dma_start3A_161 : memref<256x64xf32, #tpu.memory_space<vmem>>) target(%dma_start3A_157 : memref<256x64xf32, #tpu.memory_space<hbm>>) target_semaphore(%run_scoped3A_149 : memref<!tpu.dma_semaphore, #tpu.memory_space<semaphore_mem>>)
      %dma_wait3A_162 = arith.constant 0 : i32
      %dma_wait3A_163 = arith.constant 0 : i32
      %dma_wait3A_164 = tpu.memref_slice %arg6[%run_scoped3A_131, %dma_wait3A_162, %dma_wait3A_163] : memref<5x256x64xf32, #tpu.memory_space<vmem>> -> memref<1x256x64xf32, #tpu.memory_space<vmem>>
      %dma_wait3A_165 = tpu.memref_squeeze %dma_wait3A_164 : memref<1x256x64xf32, #tpu.memory_space<vmem>> -> memref<256x64xf32, #tpu.memory_space<vmem>>
      %dma_wait3A_166 = arith.constant 0 : i32
      %dma_wait3A_167 = tpu.memref_slice %arg4[%add3A_130, %dma_wait3A_166] : memref<819200x128xf32, #tpu.memory_space<hbm>> -> memref<256x64xf32, #tpu.memory_space<hbm>>
      %dma_wait3A_168 = arith.constant 0 : i32
      %dma_wait3A_169 = tpu.memref_slice %arg4[%add3A_130, %dma_wait3A_168] : memref<819200x128xf32, #tpu.memory_space<hbm>> -> memref<256x64xf32, #tpu.memory_space<hbm>>
      %dma_wait3A_170 = arith.constant 0 : i32
      %dma_wait3A_171 = arith.constant 0 : i32
      %dma_wait3A_172 = tpu.memref_slice %arg6[%run_scoped3A_131, %dma_wait3A_170, %dma_wait3A_171] : memref<5x256x64xf32, #tpu.memory_space<vmem>> -> memref<1x256x64xf32, #tpu.memory_space<vmem>>
      %dma_wait3A_173 = tpu.memref_squeeze %dma_wait3A_172 : memref<1x256x64xf32, #tpu.memory_space<vmem>> -> memref<256x64xf32, #tpu.memory_space<vmem>>
      tpu.wait_dma2 semaphore(%run_scoped3A_149 : memref<!tpu.dma_semaphore, #tpu.memory_space<semaphore_mem>>) src(%dma_wait3A_173 : memref<256x64xf32, #tpu.memory_space<vmem>>) dst(%dma_wait3A_169 : memref<256x64xf32, #tpu.memory_space<hbm>>)
      tpu.yield
    }) : () -> ()
    %dma_wait3A_132 = arith.constant 49 : i32
    %dma_wait3A_133 = arith.constant 4 : i32
    %dma_wait3A_134 = arith.constant 0 : i32
    %dma_wait3A_135 = arith.constant 0 : i32
    %dma_wait3A_136 = tpu.memref_slice %arg6[%dma_wait3A_133, %dma_wait3A_134, %dma_wait3A_135] : memref<5x256x64xf32, #tpu.memory_space<vmem>> -> memref<1x256x64xf32, #tpu.memory_space<vmem>>
    %dma_wait3A_137 = tpu.memref_squeeze %dma_wait3A_136 : memref<1x256x64xf32, #tpu.memory_space<vmem>> -> memref<256x64xf32, #tpu.memory_space<vmem>>
    %dma_wait3A_138 = arith.constant 256 : i32
    %dma_wait3A_139 = tpu.memref_slice %arg5[%dma_wait3A_132, %dma_wait3A_138] : memref<50x512xi32, #tpu.memory_space<vmem>> -> memref<1x256xi32, #tpu.memory_space<vmem>>
    %dma_wait3A_140 = tpu.memref_squeeze %dma_wait3A_139 : memref<1x256xi32, #tpu.memory_space<vmem>> -> memref<256xi32, #tpu.memory_space<vmem>>
    %dma_wait3A_141 = arith.constant 0 : i32
    %dma_wait3A_142 = arith.constant 0 : i32
    %dma_wait3A_143 = tpu.memref_slice %arg3[%dma_wait3A_141, %dma_wait3A_142] : memref<2000000x64xf32, #tpu.memory_space<hbm>> -> memref<2000000x64xf32, #tpu.memory_space<hbm>>
    tpu.wait_indirect_dma semaphore(%arg11 : memref<!tpu.dma_semaphore, #tpu.memory_space<semaphore_mem>>) src(%dma_wait3A_143 : memref<2000000x64xf32, #tpu.memory_space<hbm>>) dst(%dma_wait3A_137 : memref<256x64xf32, #tpu.memory_space<vmem>>)
    %add3A_144 = arith.constant 802816 : i32
    %add3A_145 = arith.addi %add3A_144, %mul3A_2 : i32
    %add3A_146 = arith.constant 256 : i32
    %add3A_147 = arith.addi %add3A_145, %add3A_146 : i32
    %run_scoped3A_148 = arith.constant 4 : i32
    "tpu.region"() ({
      %run_scoped3A_149 = tpu.sem_alloc : memref<!tpu.dma_semaphore, #tpu.memory_space<semaphore_mem>>
      %dma_start3A_150 = arith.constant 0 : i32
      %dma_start3A_151 = arith.constant 0 : i32
      %dma_start3A_152 = tpu.memref_slice %arg6[%run_scoped3A_148, %dma_start3A_150, %dma_start3A_151] : memref<5x256x64xf32, #tpu.memory_space<vmem>> -> memref<1x256x64xf32, #tpu.memory_space<vmem>>
      %dma_start3A_153 = tpu.memref_squeeze %dma_start3A_152 : memref<1x256x64xf32, #tpu.memory_space<vmem>> -> memref<256x64xf32, #tpu.memory_space<vmem>>
      %dma_start3A_154 = arith.constant 0 : i32
      %dma_start3A_155 = tpu.memref_slice %arg4[%add3A_147, %dma_start3A_154] : memref<819200x128xf32, #tpu.memory_space<hbm>> -> memref<256x64xf32, #tpu.memory_space<hbm>>
      %dma_start3A_156 = arith.constant 0 : i32
      %dma_start3A_157 = tpu.memref_slice %arg4[%add3A_147, %dma_start3A_156] : memref<819200x128xf32, #tpu.memory_space<hbm>> -> memref<256x64xf32, #tpu.memory_space<hbm>>
      %dma_start3A_158 = arith.constant 0 : i32
      %dma_start3A_159 = arith.constant 0 : i32
      %dma_start3A_160 = tpu.memref_slice %arg6[%run_scoped3A_148, %dma_start3A_158, %dma_start3A_159] : memref<5x256x64xf32, #tpu.memory_space<vmem>> -> memref<1x256x64xf32, #tpu.memory_space<vmem>>
      %dma_start3A_161 = tpu.memref_squeeze %dma_start3A_160 : memref<1x256x64xf32, #tpu.memory_space<vmem>> -> memref<256x64xf32, #tpu.memory_space<vmem>>
      tpu.enqueue_dma source(%dma_start3A_161 : memref<256x64xf32, #tpu.memory_space<vmem>>) target(%dma_start3A_157 : memref<256x64xf32, #tpu.memory_space<hbm>>) target_semaphore(%run_scoped3A_149 : memref<!tpu.dma_semaphore, #tpu.memory_space<semaphore_mem>>)
      %dma_wait3A_162 = arith.constant 0 : i32
      %dma_wait3A_163 = arith.constant 0 : i32
      %dma_wait3A_164 = tpu.memref_slice %arg6[%run_scoped3A_148, %dma_wait3A_162, %dma_wait3A_163] : memref<5x256x64xf32, #tpu.memory_space<vmem>> -> memref<1x256x64xf32, #tpu.memory_space<vmem>>
      %dma_wait3A_165 = tpu.memref_squeeze %dma_wait3A_164 : memref<1x256x64xf32, #tpu.memory_space<vmem>> -> memref<256x64xf32, #tpu.memory_space<vmem>>
      %dma_wait3A_166 = arith.constant 0 : i32
      %dma_wait3A_167 = tpu.memref_slice %arg4[%add3A_147, %dma_wait3A_166] : memref<819200x128xf32, #tpu.memory_space<hbm>> -> memref<256x64xf32, #tpu.memory_space<hbm>>
      %dma_wait3A_168 = arith.constant 0 : i32
      %dma_wait3A_169 = tpu.memref_slice %arg4[%add3A_147, %dma_wait3A_168] : memref<819200x128xf32, #tpu.memory_space<hbm>> -> memref<256x64xf32, #tpu.memory_space<hbm>>
      %dma_wait3A_170 = arith.constant 0 : i32
      %dma_wait3A_171 = arith.constant 0 : i32
      %dma_wait3A_172 = tpu.memref_slice %arg6[%run_scoped3A_148, %dma_wait3A_170, %dma_wait3A_171] : memref<5x256x64xf32, #tpu.memory_space<vmem>> -> memref<1x256x64xf32, #tpu.memory_space<vmem>>
      %dma_wait3A_173 = tpu.memref_squeeze %dma_wait3A_172 : memref<1x256x64xf32, #tpu.memory_space<vmem>> -> memref<256x64xf32, #tpu.memory_space<vmem>>
      tpu.wait_dma2 semaphore(%run_scoped3A_149 : memref<!tpu.dma_semaphore, #tpu.memory_space<semaphore_mem>>) src(%dma_wait3A_173 : memref<256x64xf32, #tpu.memory_space<vmem>>) dst(%dma_wait3A_169 : memref<256x64xf32, #tpu.memory_space<hbm>>)
      tpu.yield
    }) : () -> ()
    return
  }
}

module attributes {stable_mosaic.version = 14 : i64} {
  func.func @_tt_body(%arg0: i32, %arg1: memref<64x16384xf32, #tpu.memory_space<vmem>>, %arg2: memref<16384x128xf32, #tpu.memory_space<vmem>>) attributes {dimension_semantics = [#tpu.dimension_semantics<arbitrary>], iteration_bounds = array<i64: 62>, scalar_prefetch = 0 : i64, scratch_operands = 0 : i64, tpu.core_type = #tpu.core_type<tc>, window_params = [{transform_indices = @transform_0, window_bounds = array<i64: 64, 16384>}, {transform_indices = @transform_1, window_bounds = array<i64: 16384, 128>}]} {
    %get3A = arith.constant 0 : index
    %get3A_0 = arith.constant 0 : index
    %get3A_1 = vector.load %arg1[%get3A, %get3A_0] : memref<64x16384xf32, #tpu.memory_space<vmem>>, vector<64x16384xf32>
    %transpose3A = tpu.transpose %get3A_1, [1, 0] : vector<64x16384xf32> -> vector<16384x64xf32>
    %swap3A = arith.constant 0 : index
    %swap3A_2 = arith.constant 0 : index
    %swap3A_3 = vector.load %arg2[%swap3A, %swap3A_2] : memref<16384x128xf32, #tpu.memory_space<vmem>>, vector<16384x64xf32>
    tpu.vector_store %arg2[%swap3A, %swap3A_2], %transpose3A {strides = array<i32>} : memref<16384x128xf32, #tpu.memory_space<vmem>>, vector<16384x64xf32>,
    return
  }
  func.func @transform_0(%arg0: i32) -> (i32, i32) {
    %c0_i32 = arith.constant 0 : i32
    %c0_i32_0 = arith.constant 0 : i32
    return %c0_i32, %arg0 : i32, i32
  }
  func.func @transform_1(%arg0: i32) -> (i32, i32) {
    %c0_i32 = arith.constant 0 : i32
    %c0_i32_0 = arith.constant 0 : i32
    return %arg0, %c0_i32 : i32, i32
  }
}

</mosaic_0001>

<sc_bundles>
// kernel: kernel.4.cloned.1.call-start
scs
__scs_entry_jumppad:
0x0: {  	(pc) =	sbr.rel $0x88, $3  }
0x1: {  	(tag) =	ssettag $0x0;
	lr =	simm.s32 $0x1  }
0x2: {  	[smem:$0x3F9F] =	sst lr;
	_ =	strace $0xD0000000  }
0x3: {  	_ = 	snop  }
0x4: {  	_ = 	snop  }
0x5: {  	_ = 	snop  }
0x6: {  	_ = 	snop  }
0x7: {  	_ = 	snop  }
__scs_overlays_trampoline_lowered:
0x8: {  	[smem:$0x3FAE] =	sst s0  }
0x9: {  	[smem:$0x3FAF] =	sst s1  }
0xa: {  	[smem:$0x3FB0] =	sst s2  }
0xb: {  	[smem:$0x3FB1] =	sst s3  }
0xc: {  	[smem:$0x3FB2] =	sst s4  }
0xd: {  	[smem:$0x3FB3] =	sst s5  }
0xe: {  	[smem:$0x3FB4] =	sst s6  }
0xf: {  	[smem:$0x3FB5] =	sst s7  }
0x10: {  	[smem:$0x3FB6] =	sst s8  }
0x11: {  	[smem:$0x3FB7] =	sst s9;
	s0 =	simm.s32 @!p0 $0x0  }
0x12: {  	s1 =	sld [smem:$0x3F9D];
	s0 =	simm.s32 @p0 $0x1  }
0x13: {  	[smem:$0x3FB8] =	sst s0;
	s0 =	simm.s32 @!p1 $0x0  }
0x14: {  	s2 =	sld [smem:$0x3F9C];
	s0 =	simm.s32 @p1 $0x1  }
0x15: {  	[smem:$0x3FB9] =	sst s0;
	s0 =	simm.s32 @!p2 $0x0  }
0x16: {  	s3 =	sld [smem:$0x3FDB];
	s0 =	simm.s32 @p2 $0x1  }
0x17: {  	s4 =	simm.s32 $0x1BF5;
	[smem:$0x3FBB] =	sst s0  }
0x18: {  	s0 =	sld [smem:$0x3F9E];
	_ =	swait.ge [sflag:s4], $0x0  }
0x19: {  	s7 =	sld [smem:$0x3F9F]  }
0x1a: {  	s8 =	sadd.s32 $0xFFFFE003, lr  }
0x1b: {  	s9 =	sadd.s32 $0xFFFFFEF7, lr;
	s5 =	simm.s32 $0xFFFFFFFF;
	p2 =	slt.u32 s8, $0xFFFFF086  }
0x1c: {  	p1 =	slt.u32 s9, $0xF7A;
	s5 =	simm.s32 @!p2 $0x0  }
0x1d: {  	s5 =	simm.s32 @p1 $0x1;
	p0 =	seq.s32 s7, s2  }
0x1e: {  	s7 =	smul.u32 @!p0 $0xF7A, s2;
	p2 =	seq.s32 @!p0 s5, $0x0  }
0x1f: {  	s9 =	smul.u32 $0xF7A, s1;
	s8 =	simm.s32 @!p0 $0x1BF5;
	p2 =	por !p2, p0  }
0x20: {  	[sflag:s8] =	ssyncset.s32 @!p0 $0xFFFFF086;
	s6 =	sadd.s32 @!p0 s3, s7;
	s7 =	simm.s32 @!p0 $0x108  }
0x21: {  	s3 =	sadd.s32 s3, s9;
	s6 =	sadd.s32 @!p0 $0x88, s6;
	s7 =	simm.s32 @p2 $0x1082  }
0x22: {  	[simem:s7], [sflag:s8] =	dma.local @!p0 [hbm:s6], $0xF7A  }
0x23: {  	s9 =	sor.u32 $0xD0000000, s2;
	s6 =	simm.s32 $0x108;
	_ =	swait.ge @!p0 [sflag:s8], $0x0  }
0x24: {  	s3 =	sadd.s32 $0x88, s3;
	s6 =	simm.s32 @!p1 $0x1082;
	[sflag:s4] =	ssyncset.s32 $0xFFFFF086  }
0x25: {  	[simem:s6], [sflag:s4] =	dma.local [hbm:s3], $0xF7A  }
0x26: {  	[smem:$0x3F9F] =	sst s1;
	(tag) =	ssettag s2;
	_ =	strace s9  }
0x27: {  	s1 =	sld [smem:$0x3FAF]  }
0x28: {  	s2 =	sld [smem:$0x3FB0]  }
0x29: {  	s4 =	sld [smem:$0x3FB2]  }
0x2a: {  	p0 =	seq.s32 s5, $0x0;
	s5 =	sld [smem:$0x3FB3]  }
0x2b: {  	s6 =	sld [smem:$0x3FB4]  }
0x2c: {  	s7 =	sld [smem:$0x3FB5]  }
0x2d: {  	s3 =	simm.s32 $0x108;
	s8 =	sld [smem:$0x3FB6]  }
0x2e: {  	s3 =	simm.s32 @!p0 $0x1082;
	s9 =	sld [smem:$0x3FB7]  }
0x2f: {  	lr =	sadd.s32 s0, s3;
	s0 =	sld [smem:$0x3FAE]  }
0x30: {  	s3 =	sld [smem:$0x3FB1]  }
0x31: {  	[smem:$0x3FBA] =	sst s10  }
0x32: {  	s10 =	sld [smem:$0x3FB8];
	_ =	sdelay $0x3  }
0x33: {  	p0 =	seq.s32 s10, $0x1;
	s10 =	sld [smem:$0x3FBA];
	_ =	sdelay $0x3  }
0x34: {  	[smem:$0x3FBA] =	sst s10  }
0x35: {  	s10 =	sld [smem:$0x3FB9];
	_ =	sdelay $0x3  }
0x36: {  	p1 =	seq.s32 s10, $0x1;
	s10 =	sld [smem:$0x3FBA];
	_ =	sdelay $0x3  }
0x37: {  	[smem:$0x3FBA] =	sst s10  }
0x38: {  	s10 =	sld [smem:$0x3FBB]  }
0x39: {  	_ = 	snop;
	(pc) =	sbr.ind lr, $3  }
0x3a: {  	_ = 	snop  }
0x3b: {  	_ = 	snop  }
0x3c: {  	p2 =	seq.s32 s10, $0x1;
	s10 =	sld [smem:$0x3FBA]  }
0x3d: {  	_ =	shalt  }
0x3e: {  	_ =	shalt  }
0x3f: {  	_ =	shalt  }
0x40: {  	_ =	shalt  }
0x41: {  	_ =	shalt  }
0x42: {  	_ =	shalt  }
0x43: {  	_ =	shalt  }
0x44: {  	_ =	shalt  }
0x45: {  	_ =	shalt  }
0x46: {  	_ =	shalt  }
0x47: {  	_ =	shalt  }
0x48: {  	_ =	shalt  }
0x49: {  	_ =	shalt  }
0x4a: {  	_ =	shalt  }
0x4b: {  	_ =	shalt  }
0x4c: {  	_ =	shalt  }
0x4d: {  	_ =	shalt  }
0x4e: {  	_ =	shalt  }
0x4f: {  	_ =	shalt  }
0x50: {  	_ =	shalt  }
0x51: {  	_ =	shalt  }
0x52: {  	_ =	shalt  }
0x53: {  	_ =	shalt  }
0x54: {  	_ =	shalt  }
0x55: {  	_ =	shalt  }
0x56: {  	_ =	shalt  }
0x57: {  	_ =	shalt  }
0x58: {  	_ =	shalt  }
0x59: {  	_ =	shalt  }
0x5a: {  	_ =	shalt  }
0x5b: {  	_ =	shalt  }
0x5c: {  	_ =	shalt  }
0x5d: {  	_ =	shalt  }
0x5e: {  	_ =	shalt  }
0x5f: {  	_ =	shalt  }
0x60: {  	_ =	shalt  }
0x61: {  	_ =	shalt  }
0x62: {  	_ =	shalt  }
0x63: {  	_ =	shalt  }
0x64: {  	_ =	shalt  }
0x65: {  	_ =	shalt  }
0x66: {  	_ =	shalt  }
0x67: {  	_ =	shalt  }
0x68: {  	_ =	shalt  }
0x69: {  	_ =	shalt  }
0x6a: {  	_ =	shalt  }
0x6b: {  	_ =	shalt  }
0x6c: {  	_ =	shalt  }
0x6d: {  	_ =	shalt  }
0x6e: {  	_ =	shalt  }
0x6f: {  	_ =	shalt  }
0x70: {  	_ =	shalt  }
0x71: {  	_ =	shalt  }
0x72: {  	_ =	shalt  }
0x73: {  	_ =	shalt  }
0x74: {  	_ =	shalt  }
0x75: {  	_ =	shalt  }
0x76: {  	_ =	shalt  }
0x77: {  	_ =	shalt  }
0x78: {  	_ =	shalt  }
0x79: {  	_ =	shalt  }
0x7a: {  	_ =	shalt  }
0x7b: {  	_ =	shalt  }
0x7c: {  	_ =	shalt  }
0x7d: {  	_ =	shalt  }
0x7e: {  	_ =	shalt  }
0x7f: {  	_ =	shalt  }
0x80: {  	_ =	shalt  }
0x81: {  	_ =	shalt  }
0x82: {  	_ =	shalt  }
0x83: {  	_ =	shalt  }
0x84: {  	_ =	shalt  }
0x85: {  	_ =	shalt  }
0x86: {  	_ =	shalt  }
0x87: {  	_ =	shalt  }
.Lfunc_end0:
.L_simem_size_0:
called_computation.1_lowered:
.L_overlay_start_0:
0x88: {  	s2 =	sld [smem:$0x3FD9]  }
0x89: {  	s3 =	sld [smem:$0x3FFE];
	_ =	sdelay $0x1  }
0x8a: {  	s1 =	srdreg.scid  }
0x8b: {  	s0 =	sand.u32 $0x1, s1  }
0x8c: {  	s17 =	sshll.u32 s0, $0xA;
	s2 =	sadd.s32 s3, s2  }
0x8d: {  	s2 =	sadd.s32 s2, s17  }
0x8e: {  	[smem:$0x3FC6] =	sst s2  }
0x8f: {  	_ = 	snop  }
0x90: {  	s2 =	sld [smem:$0x3FD0];
	(tm) =	ssettm $0x1  }
0x91: {  	s18 =	sld [smem:$0x3FFB];
	_ =	sdelay $0x3  }
0x92: {  	_ =	strace s18  }
0x93: {  	s3 =	sld [smem:$0x3FFC];
	_ =	sdelay $0x3  }
0x94: {  	_ =	strace s3  }
0x95: {  	s3 =	sld [smem:$0x3FFD];
	_ =	sdelay $0x3  }
0x96: {  	_ =	strace s3  }
0x97: {  	_ =	strace $0x8FFFFFFF  }
0x98: {  	s19 =	sld [smem:$0x3FDB];
	_ =	sdelay $0x1  }
0x99: {  	s4 =	simm.s32 $_scs_section_size  }
0x9a: {  	s5 =	simm.s32 $_size__tile_overlayer_lowered;
	s6 =	simm.s32 $_tile_overlayer_lowered  }
0x9b: {  	s22 =	simm.s32 $0x1BFF;
	s21 =	sshll.u32 s6, $0x1;
	s3 =	sadd.s32 s4, s19  }
0x9c: {  	s7 =	simm.s32 $0x0;
	s20 =	sshll.u32 s5, $0x1;
	s5 =	sadd.s32 s21, s3  }
0x9d: {  	[timem:s7], [sflag:s22] =	dma.local [hbm:s5], s20  }
0x9e: {  	_ =	swait.ge [sflag:s22], s20  }
0x9f: {  	s4 =	ssub.s32 $0x0, s20;
	[sflag:s22] =	ssyncset.done $0x0  }
0xa0: {  	[sflag:s22] =	ssyncadd.s32 s4;
	_ =	sdelay $0x1  }
0xa1: {  	s23 =	simm.s32 $0x1B8B  }
0xa2: {  	_ =	swait.ge [sflag:s23], $0x1  }
0xa3: {  	[sflag:s23] =	ssyncset.done $0x0  }
0xa4: {  	s25 =	simm.s32 $0x1B8E;
	s24 =	sld [smem:$0x3FFE];
	[sflag:s23] =	ssyncadd.s32 $0xFFFFFFFF  }
0xa5: {  	s26 =	simm.s32 $execute0_lowered;
	[smem:$0x3FD2] =	sst s25  }
0xa6: {  	s5 =	sshll.u32 s26, $0x1;
	_ =	strace $0x80000046;
	[dreg:$0x1] =	wrdreg $0xFFFFFFFF  }
0xa7: {  	s28 =	simm.s32 $_size_execute0_lowered;
	s3 =	sadd.s32 s3, s5;
	[dreg:$0x0] =	wrdreg $0x0  }
0xa8: {  	s5 =	sshll.u32 s28, $0x1;
	[dreg:$0x2] =	wrdreg s3  }
0xa9: {  	[dreg:$0x3] =	wrdreg s5  }
0xaa: {  	[dreg:$0x4] =	wrdreg $0xC0  }
0xab: {  	_ =	task [dreg:s7], $0x5FFFF  }
0xac: {  	[dreg:$0x1] =	wrdreg $0xFFFFFFFF  }
0xad: {  	[dreg:$0x0] =	wrdreg $0x60  }
0xae: {  	[dreg:$0x2] =	wrdreg s2  }
0xaf: {  	[dreg:$0x3] =	wrdreg s24  }
0xb0: {  	[dreg:$0x4] =	wrdreg $0x9  }
0xb1: {  	_ =	task.clear_ibuf [dreg:s7], $0x5FFFF;
	_ =	strace $0x90000046  }
0xb2: {  	s29 =	simm.s32 $0x9;
	_ =	strace $0x80000048  }
0xb3: {  	_ =	swait.ge [sflag:s29], $0x1  }
0xb4: {  	[sflag:s29] =	ssyncadd.s32 $0xFFFFFFFF  }
0xb5: {  	_ =	strace $0x90000048  }
0xb6: {  	_ =	sfence  }
0xb7: {  	s30 =	sld [smem:$0x0];
	_ =	sdelay $0x2  }
0xb8: {  	s31 =	sshll.u32 s1, $0xD;
	s1 =	sshrl.u32 s1, $0x2  }
0xb9: {  	s3 =	sand.u32 $0x4000, s31;
	s1 =	sadd.s32 s1, s30  }
0xba: {  	s0 =	sor.u32 s3, s0;
	s1 =	sshll.u32 s1, $0x11  }
0xbb: {  	s0 =	sor.u32 s1, s0  }
0xbc: {  	s0 =	sadd.s32 $0x8F2B, s0  }
0xbd: {  	[sflag:s0] =	ssyncadd.remote.s32 $0x1  }
0xbe: {  	_ =	sfence.sel $0xFFFF  }
0xbf: {  	[dreg:$0x0] =	wrdreg $0xFFFFFFFF;
	(pc) =	sbr.abs _section_cstart, $3  }
0xc0: {  	[dreg:$0x1] =	wrdreg $0xFFFFFFFF  }
0xc1: {  	_ =	task.clear_ibuf [dreg:s7], $0x2FFFF;
	_ =	strace $0x9FFFFFFF  }
0xc2: {  	(tm) =	ssettm $0x7FFFFFFF  }
0xc3: {  	_ =	shalt  }
tec
execute0_lowered:
.L_overlay_start_1:
0x0: {  	(tag) =	ssettag $0x1  }
0x1: {  	s0 =	rddreg [dreg:$0x0]  }
0x2: {  	s1 =	rddreg [dreg:$0x1];
	s3 =	srdreg.scid  }
0x3: {  	s2 =	simm.s32 $0x0;
	s4 =	stileid.u32;
	s15 =	simm.s32 $0x6  }
0x4: {  	s16 =	simm.s32 $0x100;
	s17 =	simm.s32 $0x6400;
	s18 =	simm.s32 $0xA400  }
0x5: {  	s28 =	simm.s32 $0x2;
	s6 =	sand.u32 $0x1, s3;
	[smem:$0x7FF] =	sst s2  }
0x6: {  	s4 =	sshll.u32 s4, $0xA;
	s3 =	sadd.s32 $0x800, s1;
	s5 =	sshll.u32 s6, $0x9  }
0x7: {  	_ =	strace $0x80000047;
	s19 =	ssub.s32 $0x2, s6;
	s4 =	sor.u32 s5, s4  }
0x8: {  	s5 =	sadd.s32 $0xF42C00, s1;
	s7 =	sshrl.u32 s19, $0x1;
	s8 =	sshrl.u32 s4, $0x3  }
0x9: {  	s20 =	sshll.u32 s4, $0x4;
	s1 =	ssub.s32 s19, s7;
	s0 =	sadd.s32 s0, s8  }
0xa: {  	s6 =	sadd.s32 s20, s5;
	s26 =	smax.u32 s1, $0x1;
	[dreg:$0x3] =	wrdreg s0  }
0xb: {  	s29 =	simm.s32 $0x3;
	s21 =	sadd.s32 $0xBC1000, s6;
	[dreg:$0x9] =	wrdreg s26  }
0xc: {  	s30 =	simm.s32 $0x4;
	s22 =	sadd.s32 $0xC00000, s6;
	[dreg:$0x4] =	wrdreg s21  }
0xd: {  	s31 =	simm.s32 $0x5;
	s23 =	sadd.s32 $0xC01000, s6;
	[dreg:$0x5] =	wrdreg s22  }
0xe: {  	s19 =	simm.s32 $0xE400;
	s24 =	sadd.s32 $0xC40000, s6;
	[dreg:$0x6] =	wrdreg s23  }
0xf: {  	s25 =	sadd.s32 $0xC41000, s6;
	s26 =	simm.s32 $0x80;
	[dreg:$0x7] =	wrdreg s24  }
0x10: {  	s0 =	simm.s32 $0x0;
	[dreg:$0x8] =	wrdreg s25;
	s21 =	simm.s32 $0x12400  }
0x11: {  	s23 =	simm.s32 $0x16400;
	s24 =	simm.s32 $0x1;
	s25 =	simm.s32 $0x40  }
.LBB2_1:
0x12: {  	s1 =	rddreg [dreg:$0x3];
	s6 =	simm.s32 $0x200;
	s7 =	simm.s32 $0x4000  }
0x13: {  	[tilespmem:s2], [sflag:$0x6] =	stream.strided.gather [hbm4b:s1+s6], $0x6400, s7, s6, $0x38;
	[tilespmem:$0x1A400] =	vst v63  }
0x14: {  	_ =	swait.ge [sflag:s15], $0x6400  }
0x15: {  	[sflag:s15] =	ssyncset.done $0x0  }
0x16: {  	[sflag:s15] =	ssyncadd.s32 $0xFFFF9C00  }
0x17: {  	[tilespmem:s17], [sflag:$0x1] =	stream.indirect.gather [hbm4b:s3+s16], $0x40, s2, s16, $0xb8;
	[tilespmem:$0x1A400] =	vst v63  }
0x18: {  	_ = 	snop  }
0x19: {  	[tilespmem:s18], [sflag:$0x2] =	stream.indirect.gather [hbm4b:s3+s16], $0x40, s16, s16, $0xb8;
	[tilespmem:$0x1A400] =	vst v63  }
0x1a: {  	s12 =	simm.s32 $0x300;
	s13 =	simm.s32 $0x400;
	s14 =	sand.u32 $0x1FC000, s2  }
0x1b: {  	[tilespmem:s19], [sflag:$0x3] =	stream.indirect.gather [hbm4b:s3+s16], $0x40, s6, s16, $0xb8;
	[tilespmem:$0x1A400] =	vst v63  }
0x1c: {  	s20 =	simm.s32 $0x100;
	s8 =	simm.s32 $0x2000;
	s1 =	sand.u32 $0x100, s2  }
0x1d: {  	[tilespmem:s21], [sflag:$0x4] =	stream.indirect.gather [hbm4b:s3+s16], $0x40, s12, s16, $0xb8;
	[tilespmem:$0x1A400] =	vst v63  }
0x1e: {  	s22 =	simm.s32 $0x500;
	s9 =	simm.s32 $0x6000;
	s6 =	sor.u32 s1, s14  }
0x1f: {  	[tilespmem:s23], [sflag:$0x5] =	stream.indirect.gather [hbm4b:s3+s16], $0x40, s13, s16, $0xb8;
	[tilespmem:$0x1A400] =	vst v63  }
0x20: {  	s10 =	simm.s32 $0x1800;
	s6 =	sor.u32 s4, s6;
	_ =	swait.ge [sflag:s24], $0x4000  }
0x21: {  	s8 =	sand.u32 $0x3FC000, s8;
	s6 =	sshll.u32 s6, $0x4;
	[sflag:s24] =	ssyncset.done $0x0  }
0x22: {  	s6 =	sadd.s32 s5, s6;
	s13 =	simm.s32 $0x1400;
	[sflag:s24] =	ssyncadd.s32 $0xFFFFC000  }
0x23: {  	[hbm4b:s6+s25] =	stream.strided.scatter [tilespmem:s17], [sflag:$0x6], $0x4000, s26, s25, $0x38;
	[tilespmem:$0x1A400] =	vst v63  }
0x24: {  	s7 =	sand.u32 $0x100, s20;
	s13 =	sand.u32 $0x7F800, s13;
	_ =	swait.ge [sflag:s15], $0x4000  }
0x25: {  	s13 =	sshrl.u32 s13, $0x2;
	s6 =	sand.u32 $0x100, s22;
	[sflag:s15] =	ssyncset.done $0x0  }
0x26: {  	s8 =	sor.u32 s7, s8;
	s6 =	sor.u32 s6, s13;
	[sflag:s15] =	ssyncadd.s32 $0xFFFFC000  }
0x27: {  	[tilespmem:s17], [sflag:$0x1] =	stream.indirect.gather [hbm4b:s3+s16], $0x40, s6, s16, $0xb8;
	[tilespmem:$0x1A400] =	vst v63  }
0x28: {  	s11 =	simm.s32 $0x4000;
	s6 =	sor.u32 s4, s8;
	_ =	swait.ge [sflag:s28], $0x4000  }
0x29: {  	s20 =	simm.s32 $0x700;
	s6 =	sshll.u32 s6, $0x4;
	[sflag:s28] =	ssyncset.done $0x0  }
0x2a: {  	s7 =	sand.u32 $0x3FC000, s9;
	s6 =	sadd.s32 s5, s6;
	[sflag:s28] =	ssyncadd.s32 $0xFFFFC000  }
0x2b: {  	[hbm4b:s6+s25] =	stream.strided.scatter [tilespmem:s18], [sflag:$0x6], $0x4000, s26, s25, $0x38;
	[tilespmem:$0x1A400] =	vst v63  }
0x2c: {  	s14 =	simm.s32 $0x1C00;
	s8 =	sand.u32 $0x7F800, s10;
	_ =	swait.ge [sflag:s15], $0x4000  }
0x2d: {  	s8 =	sshrl.u32 s8, $0x2;
	s6 =	sand.u32 $0x3FC000, s11;
	[sflag:s15] =	ssyncset.done $0x0  }
0x2e: {  	s8 =	sor.u32 s1, s8;
	s6 =	sor.u32 s6, s1;
	[sflag:s15] =	ssyncadd.s32 $0xFFFFC000  }
0x2f: {  	[tilespmem:s18], [sflag:$0x2] =	stream.indirect.gather [hbm4b:s3+s16], $0x40, s8, s16, $0xb8;
	[tilespmem:$0x1A400] =	vst v63  }
0x30: {  	s9 =	sand.u32 $0x7F800, s14;
	s6 =	sor.u32 s4, s6;
	_ =	swait.ge [sflag:s29], $0x4000  }
0x31: {  	s14 =	simm.s32 $0x8000;
	s6 =	sshll.u32 s6, $0x4;
	[sflag:s29] =	ssyncset.done $0x0  }
0x32: {  	s12 =	simm.s32 $0x300;
	s6 =	sadd.s32 s5, s6;
	[sflag:s29] =	ssyncadd.s32 $0xFFFFC000  }
0x33: {  	[hbm4b:s6+s25] =	stream.strided.scatter [tilespmem:s19], [sflag:$0x6], $0x4000, s26, s25, $0x38;
	[tilespmem:$0x1A400] =	vst v63  }
0x34: {  	s22 =	sand.u32 $0x100, s20;
	s20 =	simm.s32 $0x900;
	_ =	swait.ge [sflag:s15], $0x4000  }
0x35: {  	s13 =	sshrl.u32 s9, $0x2;
	s8 =	sand.u32 $0x100, s12;
	[sflag:s15] =	ssyncset.done $0x0  }
0x36: {  	s7 =	sor.u32 s8, s7;
	s6 =	sor.u32 s22, s13;
	[sflag:s15] =	ssyncadd.s32 $0xFFFFC000  }
0x37: {  	[tilespmem:s19], [sflag:$0x3] =	stream.indirect.gather [hbm4b:s3+s16], $0x40, s6, s16, $0xb8;
	[tilespmem:$0x1A400] =	vst v63  }
0x38: {  	s11 =	simm.s32 $0x2400;
	s10 =	sor.u32 s4, s7;
	_ =	swait.ge [sflag:s30], $0x4000  }
0x39: {  	s12 =	simm.s32 $0x2000;
	s6 =	sshll.u32 s10, $0x4;
	[sflag:s30] =	ssyncset.done $0x0  }
0x3a: {  	s13 =	sand.u32 $0x7F800, s12;
	s6 =	sadd.s32 s5, s6;
	[sflag:s30] =	ssyncadd.s32 $0xFFFFC000  }
0x3b: {  	[hbm4b:s6+s25] =	stream.strided.scatter [tilespmem:s21], [sflag:$0x6], $0x4000, s26, s25, $0x38;
	[tilespmem:$0x1A400] =	vst v63  }
0x3c: {  	s8 =	sand.u32 $0x3FC000, s14;
	s6 =	sshrl.u32 s13, $0x2;
	_ =	swait.ge [sflag:s15], $0x4000  }
0x3d: {  	s6 =	sor.u32 s1, s6;
	s1 =	sor.u32 s8, s1;
	[sflag:s15] =	ssyncset.done $0x0  }
0x3e: {  	s14 =	simm.s32 $0xE00;
	s1 =	sor.u32 s4, s1;
	[sflag:s15] =	ssyncadd.s32 $0xFFFFC000  }
0x3f: {  	[tilespmem:s21], [sflag:$0x4] =	stream.indirect.gather [hbm4b:s3+s16], $0x40, s6, s16, $0xb8;
	[tilespmem:$0x1A400] =	vst v63  }
0x40: {  	s7 =	sand.u32 $0x7F800, s11;
	s22 =	sshll.u32 s1, $0x4;
	_ =	swait.ge [sflag:s31], $0x4000  }
0x41: {  	s1 =	simm.s32 $0x3800;
	s6 =	sand.u32 $0x100, s20;
	[sflag:s31] =	ssyncset.done $0x0  }
0x42: {  	s8 =	sadd.s32 s5, s22;
	s20 =	simm.s32 $0x100;
	[sflag:s31] =	ssyncadd.s32 $0xFFFFC000  }
0x43: {  	[hbm4b:s8+s25] =	stream.strided.scatter [tilespmem:s23], [sflag:$0x6], $0x4000, s26, s25, $0x38;
	[tilespmem:$0x1A400] =	vst v63  }
0x44: {  	s22 =	simm.s32 $0xA000;
	s8 =	sshrl.u32 s7, $0x2;
	_ =	swait.ge [sflag:s15], $0x4000  }
.LBB2_2:
0x45: {  	s13 =	sand.u32 $0x100, s20  }
0x46: {  	s9 =	sand.u32 $0x1FC000, s22;
	[sflag:s15] =	ssyncset.done $0x0;
	s7 =	smov.u32 s1  }
0x47: {  	s10 =	sadd.s32 $0xFFFFF800, s14;
	s9 =	sor.u32 s13, s9;
	[sflag:s15] =	ssyncadd.s32 $0xFFFFC000  }
0x48: {  	s11 =	sadd.s32 $0x2000, s22;
	s6 =	sor.u32 s6, s8;
	s9 =	sor.u32 s4, s9  }
0x49: {  	[tilespmem:s23], [sflag:$0x5] =	stream.indirect.gather [hbm4b:s3+s16], $0x40, s6, s16, $0xb8;
	[tilespmem:$0x1A400] =	vst v63  }
0x4a: {  	s8 =	sand.u32 $0x3FC000, s11;
	s6 =	sshll.u32 s9, $0x4;
	_ =	swait.ge [sflag:s24], $0x4000  }
0x4b: {  	s9 =	sadd.s32 $0xFFFFF000, s1;
	s6 =	sadd.s32 s5, s6;
	[sflag:s24] =	ssyncset.done $0x0  }
0x4c: {  	s11 =	sadd.s32 $0xFFFFFC00, s14;
	s9 =	sand.u32 $0x7F800, s9;
	[sflag:s24] =	ssyncadd.s32 $0xFFFFC000  }
0x4d: {  	[hbm4b:s6+s25] =	stream.strided.scatter [tilespmem:s17], [sflag:$0x6], $0x4000, s26, s25, $0x38;
	[tilespmem:$0x1A400] =	vst v63  }
0x4e: {  	s9 =	sshrl.u32 s9, $0x2;
	s6 =	sand.u32 $0x100, s11;
	_ =	swait.ge [sflag:s15], $0x4000  }
0x4f: {  	s9 =	sor.u32 s6, s9;
	s6 =	sand.u32 $0x100, s10;
	[sflag:s15] =	ssyncset.done $0x0  }
0x50: {  	s8 =	sor.u32 s6, s8;
	s6 =	sand.u32 $0x100, s14;
	[sflag:s15] =	ssyncadd.s32 $0xFFFFC000  }
0x51: {  	[tilespmem:s17], [sflag:$0x1] =	stream.indirect.gather [hbm4b:s3+s16], $0x40, s9, s16, $0xb8;
	[tilespmem:$0x1A400] =	vst v63  }
0x52: {  	p0 =	sne.s32 s1, $0x18C00;
	s8 =	sor.u32 s4, s8;
	_ =	swait.ge [sflag:s28], $0x4000  }
0x53: {  	s8 =	sshll.u32 s8, $0x4;
	s9 =	sadd.s32 $0x6000, s22;
	[sflag:s28] =	ssyncset.done $0x0  }
0x54: {  	s10 =	sadd.s32 $0xFFFFF400, s1;
	s8 =	sadd.s32 s5, s8;
	[sflag:s28] =	ssyncadd.s32 $0xFFFFC000  }
0x55: {  	s11 =	sadd.s32 $0x4000, s22;
	s10 =	sand.u32 $0x7F800, s10;
	s9 =	sand.u32 $0x3FC000, s9  }
0x56: {  	[hbm4b:s8+s25] =	stream.strided.scatter [tilespmem:s18], [sflag:$0x6], $0x4000, s26, s25, $0x38;
	[tilespmem:$0x1A400] =	vst v63  }
0x57: {  	s8 =	sshrl.u32 s10, $0x2;
	s10 =	sand.u32 $0x3FC000, s11;
	_ =	swait.ge [sflag:s15], $0x4000  }
0x58: {  	s8 =	sor.u32 s13, s8;
	s10 =	sor.u32 s10, s13;
	[sflag:s15] =	ssyncset.done $0x0  }
0x59: {  	s11 =	sadd.s32 $0xFFFFFA00, s14;
	s10 =	sor.u32 s4, s10;
	[sflag:s15] =	ssyncadd.s32 $0xFFFFC000  }
0x5a: {  	[tilespmem:s18], [sflag:$0x2] =	stream.indirect.gather [hbm4b:s3+s16], $0x40, s8, s16, $0xb8;
	[tilespmem:$0x1A400] =	vst v63  }
0x5b: {  	s8 =	sshll.u32 s10, $0x4;
	s10 =	sadd.s32 $0xFFFFFE00, s14;
	_ =	swait.ge [sflag:s29], $0x4000  }
0x5c: {  	s12 =	sadd.s32 $0xFFFFF800, s1;
	s8 =	sadd.s32 s5, s8;
	[sflag:s29] =	ssyncset.done $0x0  }
0x5d: {  	s12 =	sand.u32 $0x7F800, s12;
	s10 =	sand.u32 $0x100, s10;
	[sflag:s29] =	ssyncadd.s32 $0xFFFFC000  }
0x5e: {  	[hbm4b:s8+s25] =	stream.strided.scatter [tilespmem:s19], [sflag:$0x6], $0x4000, s26, s25, $0x38;
	[tilespmem:$0x1A400] =	vst v63  }
0x5f: {  	s11 =	sand.u32 $0x100, s11;
	s8 =	sshrl.u32 s12, $0x2;
	_ =	swait.ge [sflag:s15], $0x4000  }
0x60: {  	s9 =	sor.u32 s11, s9;
	s8 =	sor.u32 s10, s8;
	[sflag:s15] =	ssyncset.done $0x0  }
0x61: {  	s1 =	sadd.s32 $0x1400, s1;
	s9 =	sor.u32 s4, s9;
	[sflag:s15] =	ssyncadd.s32 $0xFFFFC000  }
0x62: {  	[tilespmem:s19], [sflag:$0x3] =	stream.indirect.gather [hbm4b:s3+s16], $0x40, s8, s16, $0xb8;
	[tilespmem:$0x1A400] =	vst v63  }
0x63: {  	s8 =	sshll.u32 s9, $0x4;
	_ =	swait.ge [sflag:s30], $0x4000  }
0x64: {  	s8 =	sadd.s32 s5, s8;
	[sflag:s30] =	ssyncset.done $0x0  }
0x65: {  	s14 =	sadd.s32 $0x500, s14;
	s9 =	sadd.s32 $0xFFFFFC00, s7;
	[sflag:s30] =	ssyncadd.s32 $0xFFFFC000  }
0x66: {  	[hbm4b:s8+s25] =	stream.strided.scatter [tilespmem:s21], [sflag:$0x6], $0x4000, s26, s25, $0x38;
	[tilespmem:$0x1A400] =	vst v63  }
0x67: {  	s8 =	sand.u32 $0x7F800, s9;
	s9 =	sadd.s32 $0x8000, s22;
	_ =	swait.ge [sflag:s15], $0x4000  }
0x68: {  	s8 =	sshrl.u32 s8, $0x2;
	s9 =	sand.u32 $0x3FC000, s9;
	[sflag:s15] =	ssyncset.done $0x0  }
0x69: {  	s8 =	sor.u32 s13, s8;
	s9 =	sor.u32 s9, s13;
	[sflag:s15] =	ssyncadd.s32 $0xFFFFC000  }
0x6a: {  	[tilespmem:s21], [sflag:$0x4] =	stream.indirect.gather [hbm4b:s3+s16], $0x40, s8, s16, $0xb8;
	[tilespmem:$0x1A400] =	vst v63  }
.Ltmp0:
0x6b: {  	s8 =	sor.u32 s4, s9;
	_ =	swait.ge [sflag:s31], $0x4000;
	(pc) =	sbr.rel @p0 .LBB2_2-.Ltmp0, $4  }
0x6c: {  	s20 =	sadd.s32 $0x100, s20;
	s8 =	sshll.u32 s8, $0x4;
	[sflag:s31] =	ssyncset.done $0x0  }
0x6d: {  	s7 =	sand.u32 $0x7F800, s7;
	s8 =	sadd.s32 s5, s8;
	[sflag:s31] =	ssyncadd.s32 $0xFFFFC000  }
0x6e: {  	[hbm4b:s8+s25] =	stream.strided.scatter [tilespmem:s23], [sflag:$0x6], $0x4000, s26, s25, $0x38;
	[tilespmem:$0x1A400] =	vst v63  }
0x6f: {  	s22 =	sadd.s32 $0xA000, s22;
	s8 =	sshrl.u32 s7, $0x2;
	_ =	swait.ge [sflag:s15], $0x4000  }
0x70: {  	[sflag:s15] =	ssyncset.done $0x0  }
0x71: {  	s1 =	sor.u32 s6, s8;
	[sflag:s15] =	ssyncadd.s32 $0xFFFFC000  }
0x72: {  	[tilespmem:s23], [sflag:$0x5] =	stream.indirect.gather [hbm4b:s3+s16], $0x40, s1, s16, $0xb8;
	[tilespmem:$0x1A400] =	vst v63  }
0x73: {  	_ =	swait.ge [sflag:s24], $0x4000  }
0x74: {  	[sflag:s24] =	ssyncset.done $0x0  }
0x75: {  	s11 =	rddreg [dreg:$0x4];
	[sflag:s24] =	ssyncadd.s32 $0xFFFFC000  }
0x76: {  	[hbm4b:s11+s25] =	stream.strided.scatter [tilespmem:s17], [sflag:$0x6], $0x4000, s26, s25, $0x38;
	[tilespmem:$0x1A400] =	vst v63  }
0x77: {  	_ =	swait.ge [sflag:s15], $0x4000  }
0x78: {  	[sflag:s15] =	ssyncset.done $0x0  }
0x79: {  	[sflag:s15] =	ssyncadd.s32 $0xFFFFC000  }
0x7a: {  	_ =	swait.ge [sflag:s28], $0x4000  }
0x7b: {  	[sflag:s28] =	ssyncset.done $0x0  }
0x7c: {  	s12 =	rddreg [dreg:$0x5];
	[sflag:s28] =	ssyncadd.s32 $0xFFFFC000  }
0x7d: {  	[hbm4b:s12+s25] =	stream.strided.scatter [tilespmem:s18], [sflag:$0x6], $0x4000, s26, s25, $0x38;
	[tilespmem:$0x1A400] =	vst v63  }
0x7e: {  	_ =	swait.ge [sflag:s15], $0x4000  }
0x7f: {  	[sflag:s15] =	ssyncset.done $0x0  }
0x80: {  	[sflag:s15] =	ssyncadd.s32 $0xFFFFC000  }
0x81: {  	_ =	swait.ge [sflag:s29], $0x4000  }
0x82: {  	[sflag:s29] =	ssyncset.done $0x0  }
0x83: {  	s13 =	rddreg [dreg:$0x6];
	[sflag:s29] =	ssyncadd.s32 $0xFFFFC000  }
0x84: {  	[hbm4b:s13+s25] =	stream.strided.scatter [tilespmem:s19], [sflag:$0x6], $0x4000, s26, s25, $0x38;
	[tilespmem:$0x1A400] =	vst v63  }
0x85: {  	_ =	swait.ge [sflag:s15], $0x4000  }
0x86: {  	[sflag:s15] =	ssyncset.done $0x0  }
0x87: {  	[sflag:s15] =	ssyncadd.s32 $0xFFFFC000  }
0x88: {  	_ =	swait.ge [sflag:s30], $0x4000  }
0x89: {  	[sflag:s30] =	ssyncset.done $0x0  }
0x8a: {  	s14 =	rddreg [dreg:$0x7];
	[sflag:s30] =	ssyncadd.s32 $0xFFFFC000  }
0x8b: {  	[hbm4b:s14+s25] =	stream.strided.scatter [tilespmem:s21], [sflag:$0x6], $0x4000, s26, s25, $0x38;
	[tilespmem:$0x1A400] =	vst v63  }
0x8c: {  	_ =	swait.ge [sflag:s15], $0x4000  }
0x8d: {  	[sflag:s15] =	ssyncset.done $0x0  }
0x8e: {  	[sflag:s15] =	ssyncadd.s32 $0xFFFFC000  }
0x8f: {  	_ =	swait.ge [sflag:s31], $0x4000  }
0x90: {  	[sflag:s31] =	ssyncset.done $0x0  }
0x91: {  	s20 =	rddreg [dreg:$0x8];
	[sflag:s31] =	ssyncadd.s32 $0xFFFFC000  }
0x92: {  	[hbm4b:s20+s25] =	stream.strided.scatter [tilespmem:s23], [sflag:$0x6], $0x4000, s26, s25, $0x38;
	[tilespmem:$0x1A400] =	vst v63  }
0x93: {  	_ =	swait.ge [sflag:s15], $0x4000  }
0x94: {  	s0 =	sadd.s32 $0x1, s0;
	s22 =	rddreg [dreg:$0x9]  }
0x95: {  	p0 =	sne.s32 s0, s22  }
.Ltmp1:
0x96: {  	_ = 	snop;
	(pc) =	sbr.rel @p0 .LBB2_1-.Ltmp1, $3  }
0x97: {  	_ =	sdelay $0x1  }
0x98: {  	[sflag:s15] =	ssyncset.done $0x0  }
0x99: {  	[sflag:s15] =	ssyncadd.s32 $0xFFFFC000  }
0x9a: {  	_ =	sfence.sel $0x180000  }
0x9b: {  	[bflag:$0x0] =	sbarrier.arrive $0xFFFF  }
0x9c: {  	_ =	strace $0x90000047  }
0x9d: {  	s0 =	stileid.u32;
	[bflag:$0x2] =	sbarrier.arrive $0xFFFF  }
0x9e: {  	p0 =	sne.s32 s0, $0x0;
	s0 =	rddreg [dreg:$0x2]  }
0x9f: {  	s0 =	sadd.s32 @!p0 $0x100000, s0  }
0xa0: {  	[sflag:s0] =	ssyncadd.tile.s32 @!p0 $0x1;
	_ =	shalt  }
.Lfunc_end2:
_tile_overlayer_lowered:
.L_overlay_start_2:
0xa1: {  	(tag) =	ssettag $0x2  }
0xa2: {  	s0 =	rddreg [dreg:$0x0];
	s2 =	stileid.u32  }
0xa3: {  	s1 =	rddreg [dreg:$0x1];
	p0 =	sne.s32 s2, $0x0  }
0xa4: {  	s3 =	rddreg [dreg:$0x2];
	[bflag:$0x3] =	sbarrier.arrive $0xFFFF;
	s2 =	simm.s32 @!p0 $0x1C06  }
0xa5: {  	[timem:s3], [sflag:s2] =	dma.local @!p0 [hbm:s0], s1  }
0xa6: {  	s0 =	simm.s32 @!p0 $0x6  }
0xa7: {  	_ =	swait.ge @!p0 [sflag:s0], s1  }
0xa8: {  	s1 =	ssub.s32 @!p0 $0x0, s1;
	[sflag:s0] =	ssyncset.done @!p0 $0x0  }
0xa9: {  	[sflag:s0] =	ssyncadd.s32 @!p0 s1  }
0xaa: {  	[bflag:$0x3] =	sbarrier.arrive $0xFFFF  }
0xab: {  	_ =	shalt  }

// kernel: sparse-core-data-format-call.cloned.1.call-start
scs
called_computation_lowered:
.L_overlay_start_0:
0x0: {  	s2 =	sld [smem:$0x3FD9]  }
0x1: {  	s3 =	sld [smem:$0x3FFE];
	_ =	sdelay $0x1  }
0x2: {  	s1 =	srdreg.scid  }
0x3: {  	s0 =	sand.u32 $0x1, s1  }
0x4: {  	s18 =	sshll.u32 s0, $0xA;
	s2 =	sadd.s32 s3, s2  }
0x5: {  	s2 =	sadd.s32 s2, s18  }
0x6: {  	[smem:$0x3FC6] =	sst s2  }
0x7: {  	_ = 	snop  }
0x8: {  	s2 =	sld [smem:$0x3FD0];
	(tm) =	ssettm $0x1  }
0x9: {  	s19 =	sld [smem:$0x3FFB];
	_ =	sdelay $0x3  }
0xa: {  	_ =	strace s19  }
0xb: {  	s3 =	sld [smem:$0x3FFC];
	_ =	sdelay $0x3  }
0xc: {  	_ =	strace s3  }
0xd: {  	s3 =	sld [smem:$0x3FFD];
	_ =	sdelay $0x3  }
0xe: {  	_ =	strace s3  }
0xf: {  	_ =	strace $0x8FFFFFFF  }
0x10: {  	s20 =	sld [smem:$0x3FDB];
	_ =	sdelay $0x1  }
0x11: {  	s4 =	simm.s32 $_scs_section_size  }
0x12: {  	s5 =	simm.s32 $_size__tile_overlayer_lowered;
	s6 =	simm.s32 $_tile_overlayer_lowered  }
0x13: {  	s23 =	simm.s32 $0x1BFF;
	s22 =	sshll.u32 s6, $0x1;
	s3 =	sadd.s32 s4, s20  }
0x14: {  	s7 =	simm.s32 $0x0;
	s21 =	sshll.u32 s5, $0x1;
	s5 =	sadd.s32 s22, s3  }
0x15: {  	[timem:s7], [sflag:s23] =	dma.local [hbm:s5], s21  }
0x16: {  	_ =	swait.ge [sflag:s23], s21  }
0x17: {  	s4 =	ssub.s32 $0x0, s21;
	[sflag:s23] =	ssyncset.done $0x0  }
0x18: {  	[sflag:s23] =	ssyncadd.s32 s4;
	_ =	sdelay $0x1  }
0x19: {  	s24 =	simm.s32 $0x1B8B  }
0x1a: {  	_ =	swait.ge [sflag:s24], $0x1  }
0x1b: {  	[sflag:s24] =	ssyncset.done $0x0  }
0x1c: {  	s26 =	simm.s32 $0x1B8E;
	s25 =	sld [smem:$0x3FFE];
	[sflag:s24] =	ssyncadd.s32 $0xFFFFFFFF  }
0x1d: {  	s27 =	simm.s32 $execute0_lowered;
	[smem:$0x3FD2] =	sst s26  }
0x1e: {  	s5 =	sshll.u32 s27, $0x1;
	_ =	strace $0x80000049;
	[dreg:$0x1] =	wrdreg $0xFFFFFFFF  }
0x1f: {  	s28 =	simm.s32 $_size_execute0_lowered;
	s3 =	sadd.s32 s3, s5;
	[dreg:$0x0] =	wrdreg $0x0  }
0x20: {  	s5 =	sshll.u32 s28, $0x1;
	[dreg:$0x2] =	wrdreg s3  }
0x21: {  	[dreg:$0x3] =	wrdreg s5  }
0x22: {  	[dreg:$0x4] =	wrdreg $0xC0  }
0x23: {  	_ =	task [dreg:s7], $0x5FFFF  }
0x24: {  	[dreg:$0x1] =	wrdreg $0xFFFFFFFF  }
0x25: {  	[dreg:$0x0] =	wrdreg $0x60  }
0x26: {  	[dreg:$0x2] =	wrdreg s25  }
0x27: {  	[dreg:$0x3] =	wrdreg s2  }
0x28: {  	[dreg:$0x4] =	wrdreg $0x9  }
0x29: {  	_ =	task.clear_ibuf [dreg:s7], $0x5FFFF;
	_ =	strace $0x90000049  }
0x2a: {  	s29 =	simm.s32 $0x9;
	_ =	strace $0x8000004B  }
0x2b: {  	_ =	swait.ge [sflag:s29], $0x1  }
0x2c: {  	[sflag:s29] =	ssyncadd.s32 $0xFFFFFFFF  }
0x2d: {  	_ =	strace $0x9000004B  }
0x2e: {  	_ =	sfence  }
0x2f: {  	s30 =	sld [smem:$0x0];
	_ =	sdelay $0x2  }
0x30: {  	s31 =	sshll.u32 s1, $0xD;
	s1 =	sshrl.u32 s1, $0x2  }
0x31: {  	s3 =	sand.u32 $0x4000, s31;
	s1 =	sadd.s32 s1, s30  }
0x32: {  	s0 =	sor.u32 s3, s0;
	s1 =	sshll.u32 s1, $0x11  }
0x33: {  	s0 =	sor.u32 s1, s0  }
0x34: {  	s0 =	sadd.s32 $0x8F2B, s0  }
0x35: {  	[sflag:s0] =	ssyncadd.remote.s32 $0x1  }
0x36: {  	_ =	sfence.sel $0xFFFF  }
0x37: {  	[dreg:$0x0] =	wrdreg $0xFFFFFFFF;
	(pc) =	sbr.abs _section_cstart, $3  }
0x38: {  	[dreg:$0x1] =	wrdreg $0xFFFFFFFF  }
0x39: {  	_ =	task.clear_ibuf [dreg:s7], $0x2FFFF;
	_ =	strace $0x9FFFFFFF  }
0x3a: {  	(tm) =	ssettm $0x7FFFFFFF  }
0x3b: {  	_ =	shalt  }
tec
execute0_lowered:
.L_overlay_start_1:
0x0: {  	(tag) =	ssettag $0x1  }
0x1: {  	s0 =	srdreg.scid  }
0x2: {  	s1 =	sshll.u32 s0, $0x4  }
0x3: {  	s0 =	stileid.u32;
	s1 =	sand.u32 $0x10, s1  }
0x4: {  	s7 =	rddreg [dreg:$0x0];
	s1 =	sor.u32 s0, s1  }
0x5: {  	s4 =	simm.s32 $0x1;
	s8 =	simm.s32 $0x2;
	s2 =	sshll.u32 s1, $0x7  }
0x6: {  	s13 =	simm.s32 $0x0;
	s9 =	simm.s32 $0x20000;
	s1 =	ssub.s32 $0x4000, s2  }
0x7: {  	s14 =	simm.s32 $0x0;
	s11 =	simm.s32 $0x0;
	s3 =	sand.u32 $0xF80, s1  }
0x8: {  	s12 =	simm.s32 $0x0;
	s5 =	sshrl.u32 s1, $0xC;
	p0 =	sne.s32 s3, $0x0  }
.Ltmp0:
0x9: {  	s1 =	rddreg [dreg:$0x2];
	s4 =	simm.s32 @!p0 $0x0;
	(pc) =	sbr.rel .LBB1_1-.Ltmp0, $4  }
0xa: {  	s6 =	sadd.s32 $0xF42C00, s7;
	s3 =	rddreg [dreg:$0x1];
	s5 =	sadd.s32 s4, s5  }
0xb: {  	_ =	strace $0x8000004A;
	s4 =	simm.s32 $0x1;
	s5 =	smul.u32 $0x19, s5  }
0xc: {  	s7 =	sadd.s32 $0xF82C00, s7;
	s10 =	smov.u32 s2;
	[sflag:s4] =	ssyncpa.u1 $0x0  }
0xd: {  	p0 =	por $0x0, $0x0;
	[sflag:s8] =	ssyncpa.u1 $0x0;
	s8 =	sadd.s32 $0x1, s5  }
.LBB1_7:
0xe: {  	s15 =	sadd.s32 $0x1000, s10  }
0xf: {  	s13 =	sadd.s32 $0x2, s11;
	s17 =	smov.u32 s11;
	p2 =	sgt.s32 s15, $0x3FFF  }
0x10: {  	s17 =	smov.u32 @p2 s13  }
0x11: {  	s15 =	smov.u32 @p2 s2;
	p2 =	sgt.s32 s17, $0x31  }
0x12: {  	s17 =	simm.s32 @p2 $0x0;
	p2 =	sne.s32 s12, s8  }
.Ltmp1:
0x13: {  	p1 =	slt.u32 s12, $0x2;
	(pc) =	sbr.rel @!p2 .LBB1_8-.Ltmp1, $4  }
0x14: {  	s16 =	simm.s32 @!p1 $0x2  }
0x15: {  	s14 =	smov.u32 s11;
	p0 =	por !p0, !p0;
	_ =	swait.ge @!p1 [sflag:s16], $0x4000  }
0x16: {  	s13 =	smov.u32 s10;
	[sflag:s16] =	ssyncset.done @!p1 $0x0;
	s10 =	smov.u32 s15  }
0x17: {  	s12 =	sadd.s32 $0x1, s12;
	[sflag:s16] =	ssyncadd.s32 @!p1 $0xFFFFC000;
	s11 =	smov.u32 s17  }
.LBB1_1:
0x18: {  	p1 =	sge.u32 s12, s5  }
0x19: {  	s15 =	sxor.u32 @!p1 $0xFFFFFFFF, s12;
	s16 =	sshll.u32 @!p1 s11, $0x12  }
0x1a: {  	s17 =	sshll.u32 @!p1 s10, $0x4;
	s19 =	simm.s32 @!p1 $0x40;
	s20 =	simm.s32 @!p1 $0x80  }
0x1b: {  	s15 =	sshll.u32 @!p1 s15, $0xE;
	s17 =	sand.u32 @!p1 $0x3FFF0, s17;
	s18 =	sadd.s32 @!p1 s6, s16  }
0x1c: {  	s16 =	sadd.s32 @!p1 s16, s7;
	s15 =	sand.u32 @!p1 $0x4000, s15;
	s18 =	sadd.s32 @!p1 s17, s18  }
0x1d: {  	[tilespmem:s15], [sflag:$0x1] =	stream.strided.gather @!p1 [hbm4b:s18+s19], $0x2000, s20, s19, $0x38;
	[tilespmem:$0x10100] =	vst v63  }
0x1e: {  	s31 =	sadd.s32 $0xFFFFFFFF, s12;
	s16 =	sadd.s32 @!p1 s17, s16;
	s15 =	sor.u32 @!p1 $0x2000, s15  }
0x1f: {  	[tilespmem:s15], [sflag:$0x1] =	stream.strided.gather @!p1 [hbm4b:s16+s19], $0x2000, s20, s19, $0x38;
	[tilespmem:$0x10100] =	vst v63  }
0x20: {  	p1 =	sge.u32 s31, s5  }
.Ltmp2:
0x21: {  	_ = 	snop;
	(pc) =	sbr.rel @p1 .LBB1_7-.Ltmp2, $1  }
0x22: {  	_ =	sdelay $0x3  }
0x23: {  	s15 =	simm.s32 $0x1;
	s17 =	sand.u32 $0x1, s12  }
0x24: {  	_ =	swait.ge [sflag:s4], $0x4000;
	s15 =	simm.s32 @!p0 $0x0;
	s17 =	smul.u32 $0x10200, s17  }
0x25: {  	p2 =	por $0x1, $0x1;
	[sflag:s4] =	ssyncset.done $0x0;
	s16 =	smul.u32 $0x10200, s15  }
0x26: {  	s18 =	sshll.u32 s15, $0x10;
	[sflag:s4] =	ssyncadd.s32 $0xFFFFC000;
	s30 =	sshrl.u32 s17, $0x2  }
0x27: {  	s31 =	sshrl.u32 s18, $0x2;
	s18 =	simm.s32 $0x0;
	s16 =	sshrl.u32 s16, $0x2  }
0x28: {  	s15 =	sor.u32 $0x8000, s30;
	s17 =	sadd.s32 $0x20, s31;
	s16 =	sor.u32 $0x8000, s16  }
.LBB1_3:
0x29: {  	s19 =	sshll.u32 s18, $0xD  }
0x2a: {  	s19 =	sand.u32 $0x3FFFE000, s19  }
0x2b: {  	s21 =	sadd.s32 s19, s17  }
0x2c: {  	s31 =	smul.u32 $0x8100, s18;
	v3 =	vld [tilespmem:s21+$0x10]  }
0x2d: {  	v1 =	vld [tilespmem:s21+$0xFFFFFFF0]  }
0x2e: {  	s18 =	sshra.s32 s31, $0x2;
	v0 =	vld [tilespmem:s21+$0x0]  }
0x2f: {  	s18 =	sadd.s32 s18, s16;
	v2 =	vld [tilespmem:s21+$0xFFFFFFE0]  }
0x30: {  	s19 =	sadd.s32 $0x0, s18  }
0x31: {  	p1 =	por p2, p2;
	s20 =	simm.s32 $0x4;
	s21 =	sadd.s32 $0x40, s21;
	[tilespmem:s19+$0x1830 ss:$0x81] =	vst.msk $0xffff, v3  }
.LBB1_4:
0x32: {  	v3 =	vld [tilespmem:s21+$0x10];
	p2 =	sne.s32 s20, $0x1FC;
	[tilespmem:s19+$0x810 ss:$0x81] =	vst.msk $0xffff, v1;
	s22 =	smov.u32 s20;
	s20 =	sadd.s32 $0x4, s20  }
.Ltmp3:
0x33: {  	v1 =	vld [tilespmem:s21+$0xFFFFFFF0];
	[tilespmem:s19+$0x1020 ss:$0x81] =	vst.msk $0xffff, v0;
	(pc) =	sbr.rel @p2 .LBB1_4-.Ltmp3, $4  }
0x34: {  	v0 =	vld [tilespmem:s21+$0x0];
	[tilespmem:s19+$0x0 ss:$0x81] =	vst.msk $0xffff, v2  }
0x35: {  	s19 =	sshra.s32 s22, $0x2;
	v2 =	vld [tilespmem:s21+$0xFFFFFFE0]  }
0x36: {  	s19 =	sadd.s32 s19, s18  }
0x37: {  	s21 =	sadd.s32 $0x40, s21;
	[tilespmem:s19+$0x1830 ss:$0x81] =	vst.msk $0xffff, v3  }
.Ltmp4:
0x38: {  	(pc) =	sbr.rel @p1 .LBB1_3-.Ltmp4, $4  }
0x39: {  	_ = 	snop  }
0x3a: {  	[tilespmem:s19+$0x810 ss:$0x81] =	vst.msk $0xffff, v1  }
0x3b: {  	[tilespmem:s19+$0x1020 ss:$0x81] =	vst.msk $0xffff, v0  }
0x3c: {  	s18 =	simm.s32 $0x1;
	p2 =	por $0x0, $0x0;
	[tilespmem:s19+$0x0 ss:$0x81] =	vst.msk $0xffff, v2  }
0x3d: {  	s16 =	sshll.u32 s13, $0x3;
	s17 =	sand.u32 $0x78, s13;
	s14 =	sshll.u32 s14, $0x11  }
.Ltmp5:
0x3e: {  	s30 =	sand.u32 $0x1F800, s13;
	s16 =	sand.u32 $0x3C00, s16;
	(pc) =	sbr.rel .LBB1_7-.Ltmp5, $4  }
0x3f: {  	s31 =	sand.u32 $0x7, s13;
	s14 =	sadd.s32 s3, s14;
	s16 =	sor.u32 s17, s16  }
0x40: {  	s13 =	sshll.u32 s31, $0x12;
	s14 =	sadd.s32 s30, s14;
	s16 =	sshrl.u32 s16, $0x3  }
0x41: {  	s13 =	sor.u32 $0x400, s13;
	s14 =	sadd.s32 s16, s14  }
0x42: {  	[hbm4b:s14+s13] =	stream.strided.scatter [tilespmem:s15], [sflag:$0x2], $0x4000, s9, s13, $0x20;
	[tilespmem:$0x10100] =	vst v63  }
.LBB1_8:
0x43: {  	_ =	sfence.sel $0x180000  }
0x44: {  	s2 =	simm.s32 $0x1;
	[bflag:$0x0] =	sbarrier.arrive $0xFFFF  }
0x45: {  	s31 =	simm.s32 $0x2;
	[sflag:s2] =	ssyncpa.u1 $0x1  }
0x46: {  	[sflag:s31] =	ssyncpa.u1 $0x1  }
0x47: {  	p0 =	sne.s32 s0, $0x0;
	_ =	strace $0x9000004A  }
0x48: {  	s0 =	sadd.s32 @!p0 $0x100000, s1;
	[bflag:$0x2] =	sbarrier.arrive $0xFFFF  }
0x49: {  	[sflag:s0] =	ssyncadd.tile.s32 @!p0 $0x1;
	_ =	shalt  }
.Lfunc_end1:
_tile_overlayer_lowered:
.L_overlay_start_2:
0x4a: {  	(tag) =	ssettag $0x2  }
0x4b: {  	s0 =	rddreg [dreg:$0x0];
	s2 =	stileid.u32  }
0x4c: {  	s1 =	rddreg [dreg:$0x1];
	p0 =	sne.s32 s2, $0x0  }
0x4d: {  	s3 =	rddreg [dreg:$0x2];
	[bflag:$0x3] =	sbarrier.arrive $0xFFFF;
	s2 =	simm.s32 @!p0 $0x1C01  }
0x4e: {  	[timem:s3], [sflag:s2] =	dma.local @!p0 [hbm:s0], s1  }
0x4f: {  	s0 =	simm.s32 @!p0 $0x1  }
0x50: {  	_ =	swait.ge @!p0 [sflag:s0], s1  }
0x51: {  	s1 =	ssub.s32 @!p0 $0x0, s1;
	[sflag:s0] =	ssyncset.done @!p0 $0x0  }
0x52: {  	[sflag:s0] =	ssyncadd.s32 @!p0 s1  }
0x53: {  	[bflag:$0x3] =	sbarrier.arrive $0xFFFF  }
0x54: {  	_ =	shalt  }

</sc_bundles>
